<compile_context>
chip_gen: v7x
topology: tpu7x:2x2x1
jax: 0.10.2.dev20260603
libtpu: 0.0.44.dev20260713+nightly
codegen_flags: <defaults>
</compile_context>

<pallas_src>
import functools

import jax
import jax.numpy as jnp
from jax import lax
from jax.experimental import pallas as pl
from jax.experimental.pallas import tpu as pltpu
from jax.experimental.pallas import tpu_sc as plsc

BATCH = 16384
EMB_DIM = 32
CHUNK = 128


def _gmf_body(b_per_w, n_chunks, user_hbm, item_hbm, utab_hbm, itab_hbm,
              w_hbm, out_hbm, idx_u, idx_i, urows, irows, wv, outv, sem):
    nc = lax.axis_index("c")
    ns = lax.axis_index("s")
    wid = ns * 2 + nc
    crow0 = wid * n_chunks
    base = wid * b_per_w

    pltpu.sync_copy(user_hbm.at[pl.ds(crow0, n_chunks)], idx_u)
    pltpu.sync_copy(item_hbm.at[pl.ds(crow0, n_chunks)], idx_i)
    pltpu.sync_copy(w_hbm, wv)

    copies = []
    for j in range(n_chunks):
        copies.append(pltpu.async_copy(
            utab_hbm.at[idx_u.at[j]], urows.at[pl.ds(j * CHUNK, CHUNK)], sem))
        copies.append(pltpu.async_copy(
            itab_hbm.at[idx_i.at[j]], irows.at[pl.ds(j * CHUNK, CHUNK)], sem))
    for c in copies:
        c.wait()

    w_lo = wv[pl.ds(0, 16)]
    w_hi = wv[pl.ds(16, 16)]
    w_s = [w_lo[c] for c in range(16)] + [w_hi[c] for c in range(16)]

    def group(g, _):
        rows = g * 16 + lax.iota(jnp.int32, 16)
        acc = jnp.zeros((16,), jnp.float32)
        for c in range(EMB_DIM):
            col = jnp.full((16,), c, jnp.int32)
            u = plsc.load_gather(urows, [rows, col])
            it = plsc.load_gather(irows, [rows, col])
            acc = acc + (u * it) * w_s[c]
        outv[pl.ds(g * 16, 16)] = 1.0 / (1.0 + jnp.exp(-acc))
        return 0

    lax.fori_loop(0, b_per_w // 16, group, 0)
    pltpu.sync_copy(outv, out_hbm.at[pl.ds(base, b_per_w)])


def kernel(user, item, user_table, item_table, W):
    info = plsc.get_sparse_core_info()
    nw = info.num_cores * info.num_subcores
    assert info.num_cores == 2 and info.num_lanes == 16
    b_per_w = BATCH // nw
    n_chunks = b_per_w // CHUNK

    mesh = plsc.VectorSubcoreMesh(core_axis_name="c", subcore_axis_name="s")
    grid_kernel = pl.kernel(
        functools.partial(_gmf_body, b_per_w, n_chunks),
        out_type=jax.ShapeDtypeStruct((BATCH,), jnp.float32),
        mesh=mesh,
        scratch_types=[
            pltpu.VMEM((n_chunks, CHUNK), jnp.int32),
            pltpu.VMEM((n_chunks, CHUNK), jnp.int32),
            pltpu.VMEM((b_per_w, EMB_DIM), jnp.float32),
            pltpu.VMEM((b_per_w, EMB_DIM), jnp.float32),
            pltpu.VMEM((EMB_DIM,), jnp.float32),
            pltpu.VMEM((b_per_w,), jnp.float32),
            pltpu.SemaphoreType.DMA,
        ],
        compiler_params=pltpu.CompilerParams(
            needs_layout_passes=False, use_tc_tiling_on_sc=False),
    )
    user2d = user.astype(jnp.int32).reshape(nw * n_chunks, CHUNK)
    item2d = item.astype(jnp.int32).reshape(nw * n_chunks, CHUNK)
    return grid_kernel(user2d, item2d, user_table, item_table,
                       W.reshape(EMB_DIM))

# --- scband reference (transcript-rebuilt; emitter-appended) ---
"""Pipeline reference for scband-gmf-16166256902497 (READ-ONLY COPY).

The authoritative reference and input builder live on the scoring server;
editing this copy changes nothing except your own understanding.
"""

import jax, jax.numpy as jnp
import numpy as np

N_USERS = 1000000
N_ITEMS = 100000
EMB_DIM = 32
BATCH = 16384

def setup_inputs(seed: int = 0) -> dict:
    key = jax.random.key(seed)
    k_user, k_item, k_ut, k_it, k_w = jax.random.split(key, 5)
    user = jax.random.randint(k_user, (BATCH,), 0, N_USERS, dtype=jnp.int64 if jax.config.jax_enable_x64 else jnp.int32)
    item = jax.random.randint(k_item, (BATCH,), 0, N_ITEMS, dtype=jnp.int64 if jax.config.jax_enable_x64 else jnp.int32)
    user_table = jax.random.normal(k_ut, (N_USERS, EMB_DIM), dtype=jnp.float32) * 0.01
    item_table = jax.random.normal(k_it, (N_ITEMS, EMB_DIM), dtype=jnp.float32) * 0.01
    # Linear(emb_dim, 1, bias=False) weight, kaiming-uniform-ish init
    bound = float(np.sqrt(6.0 / (1 + 1**2)) / np.sqrt(EMB_DIM))
    W = jax.random.uniform(k_w, (1, EMB_DIM), dtype=jnp.float32, minval=-bound, maxval=bound)
    return {"user": user, "item": item, "user_table": user_table, "item_table": item_table, "W": W}

def reference(user, item, user_table, item_table, W):
    user_emb = jnp.take(user_table, user, axis=0)          # [B, D]
    item_emb = jnp.take(item_table, item, axis=0)          # [B, D]
    gmf = user_emb * item_emb                              # [B, D]
    output = gmf @ W.T                                     # [B, 1]
    output = jax.nn.sigmoid(output)                        # activation_layer('sigmoid')
    return jnp.squeeze(output, axis=-1)                    # [B]

if __name__ == "__main__":
    import jax
    _d = setup_inputs()
    print(jax.jit(kernel)(*tuple(_d.values())))

</pallas_src>

<mosaic_0001>
#map = affine_map<(d0, d1) -> (0, 0)>
#map1 = affine_map<(d0, d1) -> (0)>
module attributes {stable_mosaic.version = 14 : i64} {
  func.func @_gmf_body(%arg0: i32, %arg1: i32, %arg2: memref<128x128xi32, #tpu.memory_space<hbm>>, %arg3: memref<128x128xi32, #tpu.memory_space<hbm>>, %arg4: memref<1000000x32xf32, #tpu.memory_space<hbm>>, %arg5: memref<100000x32xf32, #tpu.memory_space<hbm>>, %arg6: memref<32xf32, #tpu.memory_space<hbm>>, %arg7: memref<16384xf32, #tpu.memory_space<hbm>>, %arg8: memref<4x128xi32, #tpu.memory_space<vmem>>, %arg9: memref<4x128xi32, #tpu.memory_space<vmem>>, %arg10: memref<512x32xf32, #tpu.memory_space<vmem>>, %arg11: memref<512x32xf32, #tpu.memory_space<vmem>>, %arg12: memref<32xf32, #tpu.memory_space<vmem>>, %arg13: memref<512xf32, #tpu.memory_space<vmem>>, %arg14: memref<!tpu.dma_semaphore, #tpu.memory_space<semaphore_mem>>) attributes {dimension_semantics = [#tpu.dimension_semantics<core_parallel>, #tpu.dimension_semantics<subcore_parallel>], iteration_bounds = array<i64: 2, 16>, scalar_prefetch = 0 : i64, scratch_operands = 7 : i64, tpu.core_type = #tpu.core_type<sc_vector_subcore>, window_params = [{transform_indices = #map}, {transform_indices = #map}, {transform_indices = #map}, {transform_indices = #map}, {transform_indices = #map1}, {transform_indices = #map1}]} {
    %mul3A = arith.constant 2 : i32
    %mul3A_0 = arith.muli %arg1, %mul3A : i32
    %add3A = arith.addi %mul3A_0, %arg0 : i32
    %mul3A_1 = arith.constant 4 : i32
    %mul3A_2 = arith.muli %add3A, %mul3A_1 : i32
    %mul3A_3 = arith.constant 512 : i32
    %mul3A_4 = arith.muli %add3A, %mul3A_3 : i32
    "tpu.region"() ({
      %run_scoped3A = tpu.sem_alloc : memref<!tpu.dma_semaphore, #tpu.memory_space<semaphore_mem>>
      %dma_start3A_234 = arith.constant 0 : i32
      %dma_start3A_235 = tpu.memref_slice %arg2[%mul3A_2, %dma_start3A_234] : memref<128x128xi32, #tpu.memory_space<hbm>> -> memref<4x128xi32, #tpu.memory_space<hbm>>
      %dma_start3A_236 = arith.constant 0 : i32
      %dma_start3A_237 = tpu.memref_slice %arg2[%mul3A_2, %dma_start3A_236] : memref<128x128xi32, #tpu.memory_space<hbm>> -> memref<4x128xi32, #tpu.memory_space<hbm>>
      tpu.enqueue_dma source(%dma_start3A_237 : memref<4x128xi32, #tpu.memory_space<hbm>>) target(%arg8 : memref<4x128xi32, #tpu.memory_space<vmem>>) target_semaphore(%run_scoped3A : memref<!tpu.dma_semaphore, #tpu.memory_space<semaphore_mem>>)
      %dma_wait3A_238 = arith.constant 0 : i32
      %dma_wait3A_239 = tpu.memref_slice %arg2[%mul3A_2, %dma_wait3A_238] : memref<128x128xi32, #tpu.memory_space<hbm>> -> memref<4x128xi32, #tpu.memory_space<hbm>>
      %dma_wait3A_240 = arith.constant 0 : i32
      %dma_wait3A_241 = tpu.memref_slice %arg2[%mul3A_2, %dma_wait3A_240] : memref<128x128xi32, #tpu.memory_space<hbm>> -> memref<4x128xi32, #tpu.memory_space<hbm>>
      tpu.wait_dma2 semaphore(%run_scoped3A : memref<!tpu.dma_semaphore, #tpu.memory_space<semaphore_mem>>) src(%dma_wait3A_241 : memref<4x128xi32, #tpu.memory_space<hbm>>) dst(%arg8 : memref<4x128xi32, #tpu.memory_space<vmem>>)
      tpu.yield
    }) : () -> ()
    "tpu.region"() ({
      %run_scoped3A = tpu.sem_alloc : memref<!tpu.dma_semaphore, #tpu.memory_space<semaphore_mem>>
      %dma_start3A_234 = arith.constant 0 : i32
      %dma_start3A_235 = tpu.memref_slice %arg3[%mul3A_2, %dma_start3A_234] : memref<128x128xi32, #tpu.memory_space<hbm>> -> memref<4x128xi32, #tpu.memory_space<hbm>>
      %dma_start3A_236 = arith.constant 0 : i32
      %dma_start3A_237 = tpu.memref_slice %arg3[%mul3A_2, %dma_start3A_236] : memref<128x128xi32, #tpu.memory_space<hbm>> -> memref<4x128xi32, #tpu.memory_space<hbm>>
      tpu.enqueue_dma source(%dma_start3A_237 : memref<4x128xi32, #tpu.memory_space<hbm>>) target(%arg9 : memref<4x128xi32, #tpu.memory_space<vmem>>) target_semaphore(%run_scoped3A : memref<!tpu.dma_semaphore, #tpu.memory_space<semaphore_mem>>)
      %dma_wait3A_238 = arith.constant 0 : i32
      %dma_wait3A_239 = tpu.memref_slice %arg3[%mul3A_2, %dma_wait3A_238] : memref<128x128xi32, #tpu.memory_space<hbm>> -> memref<4x128xi32, #tpu.memory_space<hbm>>
      %dma_wait3A_240 = arith.constant 0 : i32
      %dma_wait3A_241 = tpu.memref_slice %arg3[%mul3A_2, %dma_wait3A_240] : memref<128x128xi32, #tpu.memory_space<hbm>> -> memref<4x128xi32, #tpu.memory_space<hbm>>
      tpu.wait_dma2 semaphore(%run_scoped3A : memref<!tpu.dma_semaphore, #tpu.memory_space<semaphore_mem>>) src(%dma_wait3A_241 : memref<4x128xi32, #tpu.memory_space<hbm>>) dst(%arg9 : memref<4x128xi32, #tpu.memory_space<vmem>>)
      tpu.yield
    }) : () -> ()
    "tpu.region"() ({
      %run_scoped3A = tpu.sem_alloc : memref<!tpu.dma_semaphore, #tpu.memory_space<semaphore_mem>>
      tpu.enqueue_dma source(%arg6 : memref<32xf32, #tpu.memory_space<hbm>>) target(%arg12 : memref<32xf32, #tpu.memory_space<vmem>>) target_semaphore(%run_scoped3A : memref<!tpu.dma_semaphore, #tpu.memory_space<semaphore_mem>>)
      tpu.wait_dma2 semaphore(%run_scoped3A : memref<!tpu.dma_semaphore, #tpu.memory_space<semaphore_mem>>) src(%arg6 : memref<32xf32, #tpu.memory_space<hbm>>) dst(%arg12 : memref<32xf32, #tpu.memory_space<vmem>>)
      tpu.yield
    }) : () -> ()
    %dma_start3A = arith.constant 0 : i32
    %dma_start3A_5 = arith.constant 0 : i32
    %dma_start3A_6 = arith.constant 0 : i32
    %dma_start3A_7 = tpu.memref_slice %arg10[%dma_start3A_5, %dma_start3A_6] : memref<512x32xf32, #tpu.memory_space<vmem>> -> memref<128x32xf32, #tpu.memory_space<vmem>>
    %dma_start3A_8 = arith.constant 0 : i32
    %dma_start3A_9 = tpu.memref_slice %arg8[%dma_start3A, %dma_start3A_8] : memref<4x128xi32, #tpu.memory_space<vmem>> -> memref<1x128xi32, #tpu.memory_space<vmem>>
    %dma_start3A_10 = tpu.memref_squeeze %dma_start3A_9 : memref<1x128xi32, #tpu.memory_space<vmem>> -> memref<128xi32, #tpu.memory_space<vmem>>
    %dma_start3A_11 = arith.constant 0 : i32
    %dma_start3A_12 = arith.constant 0 : i32
    %dma_start3A_13 = tpu.memref_slice %arg4[%dma_start3A_11, %dma_start3A_12] : memref<1000000x32xf32, #tpu.memory_space<hbm>> -> memref<1000000x32xf32, #tpu.memory_space<hbm>>
    tpu.enqueue_indirect_dma source(%dma_start3A_13 : memref<1000000x32xf32, #tpu.memory_space<hbm>>) target(%dma_start3A_7 : memref<128x32xf32, #tpu.memory_space<vmem>>) offsets(%dma_start3A_10 : memref<128xi32, #tpu.memory_space<vmem>>) semaphore(%arg14 : memref<!tpu.dma_semaphore, #tpu.memory_space<semaphore_mem>>)
    %dma_start3A_14 = arith.constant 0 : i32
    %dma_start3A_15 = arith.constant 0 : i32
    %dma_start3A_16 = arith.constant 0 : i32
    %dma_start3A_17 = tpu.memref_slice %arg11[%dma_start3A_15, %dma_start3A_16] : memref<512x32xf32, #tpu.memory_space<vmem>> -> memref<128x32xf32, #tpu.memory_space<vmem>>
    %dma_start3A_18 = arith.constant 0 : i32
    %dma_start3A_19 = tpu.memref_slice %arg9[%dma_start3A_14, %dma_start3A_18] : memref<4x128xi32, #tpu.memory_space<vmem>> -> memref<1x128xi32, #tpu.memory_space<vmem>>
    %dma_start3A_20 = tpu.memref_squeeze %dma_start3A_19 : memref<1x128xi32, #tpu.memory_space<vmem>> -> memref<128xi32, #tpu.memory_space<vmem>>
    %dma_start3A_21 = arith.constant 0 : i32
    %dma_start3A_22 = arith.constant 0 : i32
    %dma_start3A_23 = tpu.memref_slice %arg5[%dma_start3A_21, %dma_start3A_22] : memref<100000x32xf32, #tpu.memory_space<hbm>> -> memref<100000x32xf32, #tpu.memory_space<hbm>>
    tpu.enqueue_indirect_dma source(%dma_start3A_23 : memref<100000x32xf32, #tpu.memory_space<hbm>>) target(%dma_start3A_17 : memref<128x32xf32, #tpu.memory_space<vmem>>) offsets(%dma_start3A_20 : memref<128xi32, #tpu.memory_space<vmem>>) semaphore(%arg14 : memref<!tpu.dma_semaphore, #tpu.memory_space<semaphore_mem>>)
    %dma_start3A_24 = arith.constant 1 : i32
    %dma_start3A_25 = arith.constant 128 : i32
    %dma_start3A_26 = arith.constant 0 : i32
    %dma_start3A_27 = tpu.memref_slice %arg10[%dma_start3A_25, %dma_start3A_26] : memref<512x32xf32, #tpu.memory_space<vmem>> -> memref<128x32xf32, #tpu.memory_space<vmem>>
    %dma_start3A_28 = arith.constant 0 : i32
    %dma_start3A_29 = tpu.memref_slice %arg8[%dma_start3A_24, %dma_start3A_28] : memref<4x128xi32, #tpu.memory_space<vmem>> -> memref<1x128xi32, #tpu.memory_space<vmem>>
    %dma_start3A_30 = tpu.memref_squeeze %dma_start3A_29 : memref<1x128xi32, #tpu.memory_space<vmem>> -> memref<128xi32, #tpu.memory_space<vmem>>
    %dma_start3A_31 = arith.constant 0 : i32
    %dma_start3A_32 = arith.constant 0 : i32
    %dma_start3A_33 = tpu.memref_slice %arg4[%dma_start3A_31, %dma_start3A_32] : memref<1000000x32xf32, #tpu.memory_space<hbm>> -> memref<1000000x32xf32, #tpu.memory_space<hbm>>
    tpu.enqueue_indirect_dma source(%dma_start3A_33 : memref<1000000x32xf32, #tpu.memory_space<hbm>>) target(%dma_start3A_27 : memref<128x32xf32, #tpu.memory_space<vmem>>) offsets(%dma_start3A_30 : memref<128xi32, #tpu.memory_space<vmem>>) semaphore(%arg14 : memref<!tpu.dma_semaphore, #tpu.memory_space<semaphore_mem>>)
    %dma_start3A_34 = arith.constant 1 : i32
    %dma_start3A_35 = arith.constant 128 : i32
    %dma_start3A_36 = arith.constant 0 : i32
    %dma_start3A_37 = tpu.memref_slice %arg11[%dma_start3A_35, %dma_start3A_36] : memref<512x32xf32, #tpu.memory_space<vmem>> -> memref<128x32xf32, #tpu.memory_space<vmem>>
    %dma_start3A_38 = arith.constant 0 : i32
    %dma_start3A_39 = tpu.memref_slice %arg9[%dma_start3A_34, %dma_start3A_38] : memref<4x128xi32, #tpu.memory_space<vmem>> -> memref<1x128xi32, #tpu.memory_space<vmem>>
    %dma_start3A_40 = tpu.memref_squeeze %dma_start3A_39 : memref<1x128xi32, #tpu.memory_space<vmem>> -> memref<128xi32, #tpu.memory_space<vmem>>
    %dma_start3A_41 = arith.constant 0 : i32
    %dma_start3A_42 = arith.constant 0 : i32
    %dma_start3A_43 = tpu.memref_slice %arg5[%dma_start3A_41, %dma_start3A_42] : memref<100000x32xf32, #tpu.memory_space<hbm>> -> memref<100000x32xf32, #tpu.memory_space<hbm>>
    tpu.enqueue_indirect_dma source(%dma_start3A_43 : memref<100000x32xf32, #tpu.memory_space<hbm>>) target(%dma_start3A_37 : memref<128x32xf32, #tpu.memory_space<vmem>>) offsets(%dma_start3A_40 : memref<128xi32, #tpu.memory_space<vmem>>) semaphore(%arg14 : memref<!tpu.dma_semaphore, #tpu.memory_space<semaphore_mem>>)
    %dma_start3A_44 = arith.constant 2 : i32
    %dma_start3A_45 = arith.constant 256 : i32
    %dma_start3A_46 = arith.constant 0 : i32
    %dma_start3A_47 = tpu.memref_slice %arg10[%dma_start3A_45, %dma_start3A_46] : memref<512x32xf32, #tpu.memory_space<vmem>> -> memref<128x32xf32, #tpu.memory_space<vmem>>
    %dma_start3A_48 = arith.constant 0 : i32
    %dma_start3A_49 = tpu.memref_slice %arg8[%dma_start3A_44, %dma_start3A_48] : memref<4x128xi32, #tpu.memory_space<vmem>> -> memref<1x128xi32, #tpu.memory_space<vmem>>
    %dma_start3A_50 = tpu.memref_squeeze %dma_start3A_49 : memref<1x128xi32, #tpu.memory_space<vmem>> -> memref<128xi32, #tpu.memory_space<vmem>>
    %dma_start3A_51 = arith.constant 0 : i32
    %dma_start3A_52 = arith.constant 0 : i32
    %dma_start3A_53 = tpu.memref_slice %arg4[%dma_start3A_51, %dma_start3A_52] : memref<1000000x32xf32, #tpu.memory_space<hbm>> -> memref<1000000x32xf32, #tpu.memory_space<hbm>>
    tpu.enqueue_indirect_dma source(%dma_start3A_53 : memref<1000000x32xf32, #tpu.memory_space<hbm>>) target(%dma_start3A_47 : memref<128x32xf32, #tpu.memory_space<vmem>>) offsets(%dma_start3A_50 : memref<128xi32, #tpu.memory_space<vmem>>) semaphore(%arg14 : memref<!tpu.dma_semaphore, #tpu.memory_space<semaphore_mem>>)
    %dma_start3A_54 = arith.constant 2 : i32
    %dma_start3A_55 = arith.constant 256 : i32
    %dma_start3A_56 = arith.constant 0 : i32
    %dma_start3A_57 = tpu.memref_slice %arg11[%dma_start3A_55, %dma_start3A_56] : memref<512x32xf32, #tpu.memory_space<vmem>> -> memref<128x32xf32, #tpu.memory_space<vmem>>
    %dma_start3A_58 = arith.constant 0 : i32
    %dma_start3A_59 = tpu.memref_slice %arg9[%dma_start3A_54, %dma_start3A_58] : memref<4x128xi32, #tpu.memory_space<vmem>> -> memref<1x128xi32, #tpu.memory_space<vmem>>
    %dma_start3A_60 = tpu.memref_squeeze %dma_start3A_59 : memref<1x128xi32, #tpu.memory_space<vmem>> -> memref<128xi32, #tpu.memory_space<vmem>>
    %dma_start3A_61 = arith.constant 0 : i32
    %dma_start3A_62 = arith.constant 0 : i32
    %dma_start3A_63 = tpu.memref_slice %arg5[%dma_start3A_61, %dma_start3A_62] : memref<100000x32xf32, #tpu.memory_space<hbm>> -> memref<100000x32xf32, #tpu.memory_space<hbm>>
    tpu.enqueue_indirect_dma source(%dma_start3A_63 : memref<100000x32xf32, #tpu.memory_space<hbm>>) target(%dma_start3A_57 : memref<128x32xf32, #tpu.memory_space<vmem>>) offsets(%dma_start3A_60 : memref<128xi32, #tpu.memory_space<vmem>>) semaphore(%arg14 : memref<!tpu.dma_semaphore, #tpu.memory_space<semaphore_mem>>)
    %dma_start3A_64 = arith.constant 3 : i32
    %dma_start3A_65 = arith.constant 384 : i32
    %dma_start3A_66 = arith.constant 0 : i32
    %dma_start3A_67 = tpu.memref_slice %arg10[%dma_start3A_65, %dma_start3A_66] : memref<512x32xf32, #tpu.memory_space<vmem>> -> memref<128x32xf32, #tpu.memory_space<vmem>>
    %dma_start3A_68 = arith.constant 0 : i32
    %dma_start3A_69 = tpu.memref_slice %arg8[%dma_start3A_64, %dma_start3A_68] : memref<4x128xi32, #tpu.memory_space<vmem>> -> memref<1x128xi32, #tpu.memory_space<vmem>>
    %dma_start3A_70 = tpu.memref_squeeze %dma_start3A_69 : memref<1x128xi32, #tpu.memory_space<vmem>> -> memref<128xi32, #tpu.memory_space<vmem>>
    %dma_start3A_71 = arith.constant 0 : i32
    %dma_start3A_72 = arith.constant 0 : i32
    %dma_start3A_73 = tpu.memref_slice %arg4[%dma_start3A_71, %dma_start3A_72] : memref<1000000x32xf32, #tpu.memory_space<hbm>> -> memref<1000000x32xf32, #tpu.memory_space<hbm>>
    tpu.enqueue_indirect_dma source(%dma_start3A_73 : memref<1000000x32xf32, #tpu.memory_space<hbm>>) target(%dma_start3A_67 : memref<128x32xf32, #tpu.memory_space<vmem>>) offsets(%dma_start3A_70 : memref<128xi32, #tpu.memory_space<vmem>>) semaphore(%arg14 : memref<!tpu.dma_semaphore, #tpu.memory_space<semaphore_mem>>)
    %dma_start3A_74 = arith.constant 3 : i32
    %dma_start3A_75 = arith.constant 384 : i32
    %dma_start3A_76 = arith.constant 0 : i32
    %dma_start3A_77 = tpu.memref_slice %arg11[%dma_start3A_75, %dma_start3A_76] : memref<512x32xf32, #tpu.memory_space<vmem>> -> memref<128x32xf32, #tpu.memory_space<vmem>>
    %dma_start3A_78 = arith.constant 0 : i32
    %dma_start3A_79 = tpu.memref_slice %arg9[%dma_start3A_74, %dma_start3A_78] : memref<4x128xi32, #tpu.memory_space<vmem>> -> memref<1x128xi32, #tpu.memory_space<vmem>>
    %dma_start3A_80 = tpu.memref_squeeze %dma_start3A_79 : memref<1x128xi32, #tpu.memory_space<vmem>> -> memref<128xi32, #tpu.memory_space<vmem>>
    %dma_start3A_81 = arith.constant 0 : i32
    %dma_start3A_82 = arith.constant 0 : i32
    %dma_start3A_83 = tpu.memref_slice %arg5[%dma_start3A_81, %dma_start3A_82] : memref<100000x32xf32, #tpu.memory_space<hbm>> -> memref<100000x32xf32, #tpu.memory_space<hbm>>
    tpu.enqueue_indirect_dma source(%dma_start3A_83 : memref<100000x32xf32, #tpu.memory_space<hbm>>) target(%dma_start3A_77 : memref<128x32xf32, #tpu.memory_space<vmem>>) offsets(%dma_start3A_80 : memref<128xi32, #tpu.memory_space<vmem>>) semaphore(%arg14 : memref<!tpu.dma_semaphore, #tpu.memory_space<semaphore_mem>>)
    %dma_wait3A = arith.constant 0 : i32
    %dma_wait3A_84 = arith.constant 0 : i32
    %dma_wait3A_85 = arith.constant 0 : i32
    %dma_wait3A_86 = tpu.memref_slice %arg10[%dma_wait3A_84, %dma_wait3A_85] : memref<512x32xf32, #tpu.memory_space<vmem>> -> memref<128x32xf32, #tpu.memory_space<vmem>>
    %dma_wait3A_87 = arith.constant 0 : i32
    %dma_wait3A_88 = tpu.memref_slice %arg8[%dma_wait3A, %dma_wait3A_87] : memref<4x128xi32, #tpu.memory_space<vmem>> -> memref<1x128xi32, #tpu.memory_space<vmem>>
    %dma_wait3A_89 = tpu.memref_squeeze %dma_wait3A_88 : memref<1x128xi32, #tpu.memory_space<vmem>> -> memref<128xi32, #tpu.memory_space<vmem>>
    %dma_wait3A_90 = arith.constant 0 : i32
    %dma_wait3A_91 = arith.constant 0 : i32
    %dma_wait3A_92 = tpu.memref_slice %arg4[%dma_wait3A_90, %dma_wait3A_91] : memref<1000000x32xf32, #tpu.memory_space<hbm>> -> memref<1000000x32xf32, #tpu.memory_space<hbm>>
    tpu.wait_indirect_dma semaphore(%arg14 : memref<!tpu.dma_semaphore, #tpu.memory_space<semaphore_mem>>) src(%dma_wait3A_92 : memref<1000000x32xf32, #tpu.memory_space<hbm>>) dst(%dma_wait3A_86 : memref<128x32xf32, #tpu.memory_space<vmem>>)
    %dma_wait3A_93 = arith.constant 0 : i32
    %dma_wait3A_94 = arith.constant 0 : i32
    %dma_wait3A_95 = arith.constant 0 : i32
    %dma_wait3A_96 = tpu.memref_slice %arg11[%dma_wait3A_94, %dma_wait3A_95] : memref<512x32xf32, #tpu.memory_space<vmem>> -> memref<128x32xf32, #tpu.memory_space<vmem>>
    %dma_wait3A_97 = arith.constant 0 : i32
    %dma_wait3A_98 = tpu.memref_slice %arg9[%dma_wait3A_93, %dma_wait3A_97] : memref<4x128xi32, #tpu.memory_space<vmem>> -> memref<1x128xi32, #tpu.memory_space<vmem>>
    %dma_wait3A_99 = tpu.memref_squeeze %dma_wait3A_98 : memref<1x128xi32, #tpu.memory_space<vmem>> -> memref<128xi32, #tpu.memory_space<vmem>>
    %dma_wait3A_100 = arith.constant 0 : i32
    %dma_wait3A_101 = arith.constant 0 : i32
    %dma_wait3A_102 = tpu.memref_slice %arg5[%dma_wait3A_100, %dma_wait3A_101] : memref<100000x32xf32, #tpu.memory_space<hbm>> -> memref<100000x32xf32, #tpu.memory_space<hbm>>
    tpu.wait_indirect_dma semaphore(%arg14 : memref<!tpu.dma_semaphore, #tpu.memory_space<semaphore_mem>>) src(%dma_wait3A_102 : memref<100000x32xf32, #tpu.memory_space<hbm>>) dst(%dma_wait3A_96 : memref<128x32xf32, #tpu.memory_space<vmem>>)
    %dma_wait3A_103 = arith.constant 1 : i32
    %dma_wait3A_104 = arith.constant 128 : i32
    %dma_wait3A_105 = arith.constant 0 : i32
    %dma_wait3A_106 = tpu.memref_slice %arg10[%dma_wait3A_104, %dma_wait3A_105] : memref<512x32xf32, #tpu.memory_space<vmem>> -> memref<128x32xf32, #tpu.memory_space<vmem>>
    %dma_wait3A_107 = arith.constant 0 : i32
    %dma_wait3A_108 = tpu.memref_slice %arg8[%dma_wait3A_103, %dma_wait3A_107] : memref<4x128xi32, #tpu.memory_space<vmem>> -> memref<1x128xi32, #tpu.memory_space<vmem>>
    %dma_wait3A_109 = tpu.memref_squeeze %dma_wait3A_108 : memref<1x128xi32, #tpu.memory_space<vmem>> -> memref<128xi32, #tpu.memory_space<vmem>>
    %dma_wait3A_110 = arith.constant 0 : i32
    %dma_wait3A_111 = arith.constant 0 : i32
    %dma_wait3A_112 = tpu.memref_slice %arg4[%dma_wait3A_110, %dma_wait3A_111] : memref<1000000x32xf32, #tpu.memory_space<hbm>> -> memref<1000000x32xf32, #tpu.memory_space<hbm>>
    tpu.wait_indirect_dma semaphore(%arg14 : memref<!tpu.dma_semaphore, #tpu.memory_space<semaphore_mem>>) src(%dma_wait3A_112 : memref<1000000x32xf32, #tpu.memory_space<hbm>>) dst(%dma_wait3A_106 : memref<128x32xf32, #tpu.memory_space<vmem>>)
    %dma_wait3A_113 = arith.constant 1 : i32
    %dma_wait3A_114 = arith.constant 128 : i32
    %dma_wait3A_115 = arith.constant 0 : i32
    %dma_wait3A_116 = tpu.memref_slice %arg11[%dma_wait3A_114, %dma_wait3A_115] : memref<512x32xf32, #tpu.memory_space<vmem>> -> memref<128x32xf32, #tpu.memory_space<vmem>>
    %dma_wait3A_117 = arith.constant 0 : i32
    %dma_wait3A_118 = tpu.memref_slice %arg9[%dma_wait3A_113, %dma_wait3A_117] : memref<4x128xi32, #tpu.memory_space<vmem>> -> memref<1x128xi32, #tpu.memory_space<vmem>>
    %dma_wait3A_119 = tpu.memref_squeeze %dma_wait3A_118 : memref<1x128xi32, #tpu.memory_space<vmem>> -> memref<128xi32, #tpu.memory_space<vmem>>
    %dma_wait3A_120 = arith.constant 0 : i32
    %dma_wait3A_121 = arith.constant 0 : i32
    %dma_wait3A_122 = tpu.memref_slice %arg5[%dma_wait3A_120, %dma_wait3A_121] : memref<100000x32xf32, #tpu.memory_space<hbm>> -> memref<100000x32xf32, #tpu.memory_space<hbm>>
    tpu.wait_indirect_dma semaphore(%arg14 : memref<!tpu.dma_semaphore, #tpu.memory_space<semaphore_mem>>) src(%dma_wait3A_122 : memref<100000x32xf32, #tpu.memory_space<hbm>>) dst(%dma_wait3A_116 : memref<128x32xf32, #tpu.memory_space<vmem>>)
    %dma_wait3A_123 = arith.constant 2 : i32
    %dma_wait3A_124 = arith.constant 256 : i32
    %dma_wait3A_125 = arith.constant 0 : i32
    %dma_wait3A_126 = tpu.memref_slice %arg10[%dma_wait3A_124, %dma_wait3A_125] : memref<512x32xf32, #tpu.memory_space<vmem>> -> memref<128x32xf32, #tpu.memory_space<vmem>>
    %dma_wait3A_127 = arith.constant 0 : i32
    %dma_wait3A_128 = tpu.memref_slice %arg8[%dma_wait3A_123, %dma_wait3A_127] : memref<4x128xi32, #tpu.memory_space<vmem>> -> memref<1x128xi32, #tpu.memory_space<vmem>>
    %dma_wait3A_129 = tpu.memref_squeeze %dma_wait3A_128 : memref<1x128xi32, #tpu.memory_space<vmem>> -> memref<128xi32, #tpu.memory_space<vmem>>
    %dma_wait3A_130 = arith.constant 0 : i32
    %dma_wait3A_131 = arith.constant 0 : i32
    %dma_wait3A_132 = tpu.memref_slice %arg4[%dma_wait3A_130, %dma_wait3A_131] : memref<1000000x32xf32, #tpu.memory_space<hbm>> -> memref<1000000x32xf32, #tpu.memory_space<hbm>>
    tpu.wait_indirect_dma semaphore(%arg14 : memref<!tpu.dma_semaphore, #tpu.memory_space<semaphore_mem>>) src(%dma_wait3A_132 : memref<1000000x32xf32, #tpu.memory_space<hbm>>) dst(%dma_wait3A_126 : memref<128x32xf32, #tpu.memory_space<vmem>>)
    %dma_wait3A_133 = arith.constant 2 : i32
    %dma_wait3A_134 = arith.constant 256 : i32
    %dma_wait3A_135 = arith.constant 0 : i32
    %dma_wait3A_136 = tpu.memref_slice %arg11[%dma_wait3A_134, %dma_wait3A_135] : memref<512x32xf32, #tpu.memory_space<vmem>> -> memref<128x32xf32, #tpu.memory_space<vmem>>
    %dma_wait3A_137 = arith.constant 0 : i32
    %dma_wait3A_138 = tpu.memref_slice %arg9[%dma_wait3A_133, %dma_wait3A_137] : memref<4x128xi32, #tpu.memory_space<vmem>> -> memref<1x128xi32, #tpu.memory_space<vmem>>
    %dma_wait3A_139 = tpu.memref_squeeze %dma_wait3A_138 : memref<1x128xi32, #tpu.memory_space<vmem>> -> memref<128xi32, #tpu.memory_space<vmem>>
    %dma_wait3A_140 = arith.constant 0 : i32
    %dma_wait3A_141 = arith.constant 0 : i32
    %dma_wait3A_142 = tpu.memref_slice %arg5[%dma_wait3A_140, %dma_wait3A_141] : memref<100000x32xf32, #tpu.memory_space<hbm>> -> memref<100000x32xf32, #tpu.memory_space<hbm>>
    tpu.wait_indirect_dma semaphore(%arg14 : memref<!tpu.dma_semaphore, #tpu.memory_space<semaphore_mem>>) src(%dma_wait3A_142 : memref<100000x32xf32, #tpu.memory_space<hbm>>) dst(%dma_wait3A_136 : memref<128x32xf32, #tpu.memory_space<vmem>>)
    %dma_wait3A_143 = arith.constant 3 : i32
    %dma_wait3A_144 = arith.constant 384 : i32
    %dma_wait3A_145 = arith.constant 0 : i32
    %dma_wait3A_146 = tpu.memref_slice %arg10[%dma_wait3A_144, %dma_wait3A_145] : memref<512x32xf32, #tpu.memory_space<vmem>> -> memref<128x32xf32, #tpu.memory_space<vmem>>
    %dma_wait3A_147 = arith.constant 0 : i32
    %dma_wait3A_148 = tpu.memref_slice %arg8[%dma_wait3A_143, %dma_wait3A_147] : memref<4x128xi32, #tpu.memory_space<vmem>> -> memref<1x128xi32, #tpu.memory_space<vmem>>
    %dma_wait3A_149 = tpu.memref_squeeze %dma_wait3A_148 : memref<1x128xi32, #tpu.memory_space<vmem>> -> memref<128xi32, #tpu.memory_space<vmem>>
    %dma_wait3A_150 = arith.constant 0 : i32
    %dma_wait3A_151 = arith.constant 0 : i32
    %dma_wait3A_152 = tpu.memref_slice %arg4[%dma_wait3A_150, %dma_wait3A_151] : memref<1000000x32xf32, #tpu.memory_space<hbm>> -> memref<1000000x32xf32, #tpu.memory_space<hbm>>
    tpu.wait_indirect_dma semaphore(%arg14 : memref<!tpu.dma_semaphore, #tpu.memory_space<semaphore_mem>>) src(%dma_wait3A_152 : memref<1000000x32xf32, #tpu.memory_space<hbm>>) dst(%dma_wait3A_146 : memref<128x32xf32, #tpu.memory_space<vmem>>)
    %dma_wait3A_153 = arith.constant 3 : i32
    %dma_wait3A_154 = arith.constant 384 : i32
    %dma_wait3A_155 = arith.constant 0 : i32
    %dma_wait3A_156 = tpu.memref_slice %arg11[%dma_wait3A_154, %dma_wait3A_155] : memref<512x32xf32, #tpu.memory_space<vmem>> -> memref<128x32xf32, #tpu.memory_space<vmem>>
    %dma_wait3A_157 = arith.constant 0 : i32
    %dma_wait3A_158 = tpu.memref_slice %arg9[%dma_wait3A_153, %dma_wait3A_157] : memref<4x128xi32, #tpu.memory_space<vmem>> -> memref<1x128xi32, #tpu.memory_space<vmem>>
    %dma_wait3A_159 = tpu.memref_squeeze %dma_wait3A_158 : memref<1x128xi32, #tpu.memory_space<vmem>> -> memref<128xi32, #tpu.memory_space<vmem>>
    %dma_wait3A_160 = arith.constant 0 : i32
    %dma_wait3A_161 = arith.constant 0 : i32
    %dma_wait3A_162 = tpu.memref_slice %arg5[%dma_wait3A_160, %dma_wait3A_161] : memref<100000x32xf32, #tpu.memory_space<hbm>> -> memref<100000x32xf32, #tpu.memory_space<hbm>>
    tpu.wait_indirect_dma semaphore(%arg14 : memref<!tpu.dma_semaphore, #tpu.memory_space<semaphore_mem>>) src(%dma_wait3A_162 : memref<100000x32xf32, #tpu.memory_space<hbm>>) dst(%dma_wait3A_156 : memref<128x32xf32, #tpu.memory_space<vmem>>)
    %get3A = arith.constant 0 : index
    %get3A_163 = tpu.vector_load %arg12[%get3A] {strides = array<i32>} : memref<32xf32, #tpu.memory_space<vmem>>, vector<16xf32>,
    %get3A_164 = arith.constant 16 : index
    %get3A_165 = tpu.vector_load %arg12[%get3A_164] {strides = array<i32>} : memref<32xf32, #tpu.memory_space<vmem>>, vector<16xf32>,
    %slice3A = vector.extract_strided_slice %get3A_163 {offsets = [0], sizes = [1], strides = [1]} : vector<16xf32> to vector<1xf32>
    %squeeze3A = vector.extract %slice3A[0] : f32 from vector<1xf32>
    %slice3A_166 = vector.extract_strided_slice %get3A_163 {offsets = [1], sizes = [1], strides = [1]} : vector<16xf32> to vector<1xf32>
    %squeeze3A_167 = vector.extract %slice3A_166[0] : f32 from vector<1xf32>
    %slice3A_168 = vector.extract_strided_slice %get3A_163 {offsets = [2], sizes = [1], strides = [1]} : vector<16xf32> to vector<1xf32>
    %squeeze3A_169 = vector.extract %slice3A_168[0] : f32 from vector<1xf32>
    %slice3A_170 = vector.extract_strided_slice %get3A_163 {offsets = [3], sizes = [1], strides = [1]} : vector<16xf32> to vector<1xf32>
    %squeeze3A_171 = vector.extract %slice3A_170[0] : f32 from vector<1xf32>
    %slice3A_172 = vector.extract_strided_slice %get3A_163 {offsets = [4], sizes = [1], strides = [1]} : vector<16xf32> to vector<1xf32>
    %squeeze3A_173 = vector.extract %slice3A_172[0] : f32 from vector<1xf32>
    %slice3A_174 = vector.extract_strided_slice %get3A_163 {offsets = [5], sizes = [1], strides = [1]} : vector<16xf32> to vector<1xf32>
    %squeeze3A_175 = vector.extract %slice3A_174[0] : f32 from vector<1xf32>
    %slice3A_176 = vector.extract_strided_slice %get3A_163 {offsets = [6], sizes = [1], strides = [1]} : vector<16xf32> to vector<1xf32>
    %squeeze3A_177 = vector.extract %slice3A_176[0] : f32 from vector<1xf32>
    %slice3A_178 = vector.extract_strided_slice %get3A_163 {offsets = [7], sizes = [1], strides = [1]} : vector<16xf32> to vector<1xf32>
    %squeeze3A_179 = vector.extract %slice3A_178[0] : f32 from vector<1xf32>
    %slice3A_180 = vector.extract_strided_slice %get3A_163 {offsets = [8], sizes = [1], strides = [1]} : vector<16xf32> to vector<1xf32>
    %squeeze3A_181 = vector.extract %slice3A_180[0] : f32 from vector<1xf32>
    %slice3A_182 = vector.extract_strided_slice %get3A_163 {offsets = [9], sizes = [1], strides = [1]} : vector<16xf32> to vector<1xf32>
    %squeeze3A_183 = vector.extract %slice3A_182[0] : f32 from vector<1xf32>
    %slice3A_184 = vector.extract_strided_slice %get3A_163 {offsets = [10], sizes = [1], strides = [1]} : vector<16xf32> to vector<1xf32>
    %squeeze3A_185 = vector.extract %slice3A_184[0] : f32 from vector<1xf32>
    %slice3A_186 = vector.extract_strided_slice %get3A_163 {offsets = [11], sizes = [1], strides = [1]} : vector<16xf32> to vector<1xf32>
    %squeeze3A_187 = vector.extract %slice3A_186[0] : f32 from vector<1xf32>
    %slice3A_188 = vector.extract_strided_slice %get3A_163 {offsets = [12], sizes = [1], strides = [1]} : vector<16xf32> to vector<1xf32>
    %squeeze3A_189 = vector.extract %slice3A_188[0] : f32 from vector<1xf32>
    %slice3A_190 = vector.extract_strided_slice %get3A_163 {offsets = [13], sizes = [1], strides = [1]} : vector<16xf32> to vector<1xf32>
    %squeeze3A_191 = vector.extract %slice3A_190[0] : f32 from vector<1xf32>
    %slice3A_192 = vector.extract_strided_slice %get3A_163 {offsets = [14], sizes = [1], strides = [1]} : vector<16xf32> to vector<1xf32>
    %squeeze3A_193 = vector.extract %slice3A_192[0] : f32 from vector<1xf32>
    %slice3A_194 = vector.extract_strided_slice %get3A_163 {offsets = [15], sizes = [1], strides = [1]} : vector<16xf32> to vector<1xf32>
    %squeeze3A_195 = vector.extract %slice3A_194[0] : f32 from vector<1xf32>
    %slice3A_196 = vector.extract_strided_slice %get3A_165 {offsets = [0], sizes = [1], strides = [1]} : vector<16xf32> to vector<1xf32>
    %squeeze3A_197 = vector.extract %slice3A_196[0] : f32 from vector<1xf32>
    %slice3A_198 = vector.extract_strided_slice %get3A_165 {offsets = [1], sizes = [1], strides = [1]} : vector<16xf32> to vector<1xf32>
    %squeeze3A_199 = vector.extract %slice3A_198[0] : f32 from vector<1xf32>
    %slice3A_200 = vector.extract_strided_slice %get3A_165 {offsets = [2], sizes = [1], strides = [1]} : vector<16xf32> to vector<1xf32>
    %squeeze3A_201 = vector.extract %slice3A_200[0] : f32 from vector<1xf32>
    %slice3A_202 = vector.extract_strided_slice %get3A_165 {offsets = [3], sizes = [1], strides = [1]} : vector<16xf32> to vector<1xf32>
    %squeeze3A_203 = vector.extract %slice3A_202[0] : f32 from vector<1xf32>
    %slice3A_204 = vector.extract_strided_slice %get3A_165 {offsets = [4], sizes = [1], strides = [1]} : vector<16xf32> to vector<1xf32>
    %squeeze3A_205 = vector.extract %slice3A_204[0] : f32 from vector<1xf32>
    %slice3A_206 = vector.extract_strided_slice %get3A_165 {offsets = [5], sizes = [1], strides = [1]} : vector<16xf32> to vector<1xf32>
    %squeeze3A_207 = vector.extract %slice3A_206[0] : f32 from vector<1xf32>
    %slice3A_208 = vector.extract_strided_slice %get3A_165 {offsets = [6], sizes = [1], strides = [1]} : vector<16xf32> to vector<1xf32>
    %squeeze3A_209 = vector.extract %slice3A_208[0] : f32 from vector<1xf32>
    %slice3A_210 = vector.extract_strided_slice %get3A_165 {offsets = [7], sizes = [1], strides = [1]} : vector<16xf32> to vector<1xf32>
    %squeeze3A_211 = vector.extract %slice3A_210[0] : f32 from vector<1xf32>
    %slice3A_212 = vector.extract_strided_slice %get3A_165 {offsets = [8], sizes = [1], strides = [1]} : vector<16xf32> to vector<1xf32>
    %squeeze3A_213 = vector.extract %slice3A_212[0] : f32 from vector<1xf32>
    %slice3A_214 = vector.extract_strided_slice %get3A_165 {offsets = [9], sizes = [1], strides = [1]} : vector<16xf32> to vector<1xf32>
    %squeeze3A_215 = vector.extract %slice3A_214[0] : f32 from vector<1xf32>
    %slice3A_216 = vector.extract_strided_slice %get3A_165 {offsets = [10], sizes = [1], strides = [1]} : vector<16xf32> to vector<1xf32>
    %squeeze3A_217 = vector.extract %slice3A_216[0] : f32 from vector<1xf32>
    %slice3A_218 = vector.extract_strided_slice %get3A_165 {offsets = [11], sizes = [1], strides = [1]} : vector<16xf32> to vector<1xf32>
    %squeeze3A_219 = vector.extract %slice3A_218[0] : f32 from vector<1xf32>
    %slice3A_220 = vector.extract_strided_slice %get3A_165 {offsets = [12], sizes = [1], strides = [1]} : vector<16xf32> to vector<1xf32>
    %squeeze3A_221 = vector.extract %slice3A_220[0] : f32 from vector<1xf32>
    %slice3A_222 = vector.extract_strided_slice %get3A_165 {offsets = [13], sizes = [1], strides = [1]} : vector<16xf32> to vector<1xf32>
    %squeeze3A_223 = vector.extract %slice3A_222[0] : f32 from vector<1xf32>
    %slice3A_224 = vector.extract_strided_slice %get3A_165 {offsets = [14], sizes = [1], strides = [1]} : vector<16xf32> to vector<1xf32>
    %squeeze3A_225 = vector.extract %slice3A_224[0] : f32 from vector<1xf32>
    %slice3A_226 = vector.extract_strided_slice %get3A_165 {offsets = [15], sizes = [1], strides = [1]} : vector<16xf32> to vector<1xf32>
    %squeeze3A_227 = vector.extract %slice3A_226[0] : f32 from vector<1xf32>
    %scan3A = arith.constant 0 : i32
    %scan3A_228 = arith.constant 0 : i32
    %scan3A_229 = arith.constant 32 : i32
    %scan3A_230 = arith.addi %scan3A_228, %scan3A_229 : i32
    %scan3A_231 = arith.constant 1 : i32
    %scan3A_232 = scf.for %scan3A_234 = %scan3A_228 to %scan3A_230 step %scan3A_231 iter_args(%scan3A_235 = %scan3A) -> (i32)  : i32 {
      %mul3A_236 = arith.constant 16 : i32
      %mul3A_237 = arith.muli %scan3A_234, %mul3A_236 : i32
      %iota3A = tpu.iota {dimensions = array<i32: 0>} : vector<16xi32>
      %add3A_238 = vector.broadcast %mul3A_237 : i32 to vector<16xi32>
      %add3A_239 = arith.addi %add3A_238, %iota3A : vector<16xi32>
      %broadcast_in_dim3A = arith.constant 0.000000e+00 : f32
      %broadcast_in_dim3A_240 = vector.broadcast %broadcast_in_dim3A : f32 to vector<16xf32>
      %broadcast_in_dim3A_241 = arith.constant 0 : i32
      %broadcast_in_dim3A_242 = vector.broadcast %broadcast_in_dim3A_241 : i32 to vector<16xi32>
      %gather3A = tpu.vector_load_idx %arg10[%add3A_239, %broadcast_in_dim3A_242] : memref<512x32xf32, #tpu.memory_space<vmem>>[vector<16xi32>, vector<16xi32>], vector<16xf32>,
      %gather3A_243 = tpu.vector_load_idx %arg11[%add3A_239, %broadcast_in_dim3A_242] : memref<512x32xf32, #tpu.memory_space<vmem>>[vector<16xi32>, vector<16xi32>], vector<16xf32>,
      %mul3A_244 = arith.mulf %gather3A, %gather3A_243 : vector<16xf32>
      %mul3A_245 = vector.broadcast %squeeze3A : f32 to vector<16xf32>
      %mul3A_246 = arith.mulf %mul3A_244, %mul3A_245 : vector<16xf32>
      %add3A_247 = arith.addf %broadcast_in_dim3A_240, %mul3A_246 : vector<16xf32>
      %broadcast_in_dim3A_248 = arith.constant 1 : i32
      %broadcast_in_dim3A_249 = vector.broadcast %broadcast_in_dim3A_248 : i32 to vector<16xi32>
      %gather3A_250 = tpu.vector_load_idx %arg10[%add3A_239, %broadcast_in_dim3A_249] : memref<512x32xf32, #tpu.memory_space<vmem>>[vector<16xi32>, vector<16xi32>], vector<16xf32>,
      %gather3A_251 = tpu.vector_load_idx %arg11[%add3A_239, %broadcast_in_dim3A_249] : memref<512x32xf32, #tpu.memory_space<vmem>>[vector<16xi32>, vector<16xi32>], vector<16xf32>,
      %mul3A_252 = arith.mulf %gather3A_250, %gather3A_251 : vector<16xf32>
      %mul3A_253 = vector.broadcast %squeeze3A_167 : f32 to vector<16xf32>
      %mul3A_254 = arith.mulf %mul3A_252, %mul3A_253 : vector<16xf32>
      %add3A_255 = arith.addf %add3A_247, %mul3A_254 : vector<16xf32>
      %broadcast_in_dim3A_256 = arith.constant 2 : i32
      %broadcast_in_dim3A_257 = vector.broadcast %broadcast_in_dim3A_256 : i32 to vector<16xi32>
      %gather3A_258 = tpu.vector_load_idx %arg10[%add3A_239, %broadcast_in_dim3A_257] : memref<512x32xf32, #tpu.memory_space<vmem>>[vector<16xi32>, vector<16xi32>], vector<16xf32>,
      %gather3A_259 = tpu.vector_load_idx %arg11[%add3A_239, %broadcast_in_dim3A_257] : memref<512x32xf32, #tpu.memory_space<vmem>>[vector<16xi32>, vector<16xi32>], vector<16xf32>,
      %mul3A_260 = arith.mulf %gather3A_258, %gather3A_259 : vector<16xf32>
      %mul3A_261 = vector.broadcast %squeeze3A_169 : f32 to vector<16xf32>
      %mul3A_262 = arith.mulf %mul3A_260, %mul3A_261 : vector<16xf32>
      %add3A_263 = arith.addf %add3A_255, %mul3A_262 : vector<16xf32>
      %broadcast_in_dim3A_264 = arith.constant 3 : i32
      %broadcast_in_dim3A_265 = vector.broadcast %broadcast_in_dim3A_264 : i32 to vector<16xi32>
      %gather3A_266 = tpu.vector_load_idx %arg10[%add3A_239, %broadcast_in_dim3A_265] : memref<512x32xf32, #tpu.memory_space<vmem>>[vector<16xi32>, vector<16xi32>], vector<16xf32>,
      %gather3A_267 = tpu.vector_load_idx %arg11[%add3A_239, %broadcast_in_dim3A_265] : memref<512x32xf32, #tpu.memory_space<vmem>>[vector<16xi32>, vector<16xi32>], vector<16xf32>,
      %mul3A_268 = arith.mulf %gather3A_266, %gather3A_267 : vector<16xf32>
      %mul3A_269 = vector.broadcast %squeeze3A_171 : f32 to vector<16xf32>
      %mul3A_270 = arith.mulf %mul3A_268, %mul3A_269 : vector<16xf32>
      %add3A_271 = arith.addf %add3A_263, %mul3A_270 : vector<16xf32>
      %broadcast_in_dim3A_272 = arith.constant 4 : i32
      %broadcast_in_dim3A_273 = vector.broadcast %broadcast_in_dim3A_272 : i32 to vector<16xi32>
      %gather3A_274 = tpu.vector_load_idx %arg10[%add3A_239, %broadcast_in_dim3A_273] : memref<512x32xf32, #tpu.memory_space<vmem>>[vector<16xi32>, vector<16xi32>], vector<16xf32>,
      %gather3A_275 = tpu.vector_load_idx %arg11[%add3A_239, %broadcast_in_dim3A_273] : memref<512x32xf32, #tpu.memory_space<vmem>>[vector<16xi32>, vector<16xi32>], vector<16xf32>,
      %mul3A_276 = arith.mulf %gather3A_274, %gather3A_275 : vector<16xf32>
      %mul3A_277 = vector.broadcast %squeeze3A_173 : f32 to vector<16xf32>
      %mul3A_278 = arith.mulf %mul3A_276, %mul3A_277 : vector<16xf32>
      %add3A_279 = arith.addf %add3A_271, %mul3A_278 : vector<16xf32>
      %broadcast_in_dim3A_280 = arith.constant 5 : i32
      %broadcast_in_dim3A_281 = vector.broadcast %broadcast_in_dim3A_280 : i32 to vector<16xi32>
      %gather3A_282 = tpu.vector_load_idx %arg10[%add3A_239, %broadcast_in_dim3A_281] : memref<512x32xf32, #tpu.memory_space<vmem>>[vector<16xi32>, vector<16xi32>], vector<16xf32>,
      %gather3A_283 = tpu.vector_load_idx %arg11[%add3A_239, %broadcast_in_dim3A_281] : memref<512x32xf32, #tpu.memory_space<vmem>>[vector<16xi32>, vector<16xi32>], vector<16xf32>,
      %mul3A_284 = arith.mulf %gather3A_282, %gather3A_283 : vector<16xf32>
      %mul3A_285 = vector.broadcast %squeeze3A_175 : f32 to vector<16xf32>
      %mul3A_286 = arith.mulf %mul3A_284, %mul3A_285 : vector<16xf32>
      %add3A_287 = arith.addf %add3A_279, %mul3A_286 : vector<16xf32>
      %broadcast_in_dim3A_288 = arith.constant 6 : i32
      %broadcast_in_dim3A_289 = vector.broadcast %broadcast_in_dim3A_288 : i32 to vector<16xi32>
      %gather3A_290 = tpu.vector_load_idx %arg10[%add3A_239, %broadcast_in_dim3A_289] : memref<512x32xf32, #tpu.memory_space<vmem>>[vector<16xi32>, vector<16xi32>], vector<16xf32>,
      %gather3A_291 = tpu.vector_load_idx %arg11[%add3A_239, %broadcast_in_dim3A_289] : memref<512x32xf32, #tpu.memory_space<vmem>>[vector<16xi32>, vector<16xi32>], vector<16xf32>,
      %mul3A_292 = arith.mulf %gather3A_290, %gather3A_291 : vector<16xf32>
      %mul3A_293 = vector.broadcast %squeeze3A_177 : f32 to vector<16xf32>
      %mul3A_294 = arith.mulf %mul3A_292, %mul3A_293 : vector<16xf32>
      %add3A_295 = arith.addf %add3A_287, %mul3A_294 : vector<16xf32>
      %broadcast_in_dim3A_296 = arith.constant 7 : i32
      %broadcast_in_dim3A_297 = vector.broadcast %broadcast_in_dim3A_296 : i32 to vector<16xi32>
      %gather3A_298 = tpu.vector_load_idx %arg10[%add3A_239, %broadcast_in_dim3A_297] : memref<512x32xf32, #tpu.memory_space<vmem>>[vector<16xi32>, vector<16xi32>], vector<16xf32>,
      %gather3A_299 = tpu.vector_load_idx %arg11[%add3A_239, %broadcast_in_dim3A_297] : memref<512x32xf32, #tpu.memory_space<vmem>>[vector<16xi32>, vector<16xi32>], vector<16xf32>,
      %mul3A_300 = arith.mulf %gather3A_298, %gather3A_299 : vector<16xf32>
      %mul3A_301 = vector.broadcast %squeeze3A_179 : f32 to vector<16xf32>
      %mul3A_302 = arith.mulf %mul3A_300, %mul3A_301 : vector<16xf32>
      %add3A_303 = arith.addf %add3A_295, %mul3A_302 : vector<16xf32>
      %broadcast_in_dim3A_304 = arith.constant 8 : i32
      %broadcast_in_dim3A_305 = vector.broadcast %broadcast_in_dim3A_304 : i32 to vector<16xi32>
      %gather3A_306 = tpu.vector_load_idx %arg10[%add3A_239, %broadcast_in_dim3A_305] : memref<512x32xf32, #tpu.memory_space<vmem>>[vector<16xi32>, vector<16xi32>], vector<16xf32>,
      %gather3A_307 = tpu.vector_load_idx %arg11[%add3A_239, %broadcast_in_dim3A_305] : memref<512x32xf32, #tpu.memory_space<vmem>>[vector<16xi32>, vector<16xi32>], vector<16xf32>,
      %mul3A_308 = arith.mulf %gather3A_306, %gather3A_307 : vector<16xf32>
      %mul3A_309 = vector.broadcast %squeeze3A_181 : f32 to vector<16xf32>
      %mul3A_310 = arith.mulf %mul3A_308, %mul3A_309 : vector<16xf32>
      %add3A_311 = arith.addf %add3A_303, %mul3A_310 : vector<16xf32>
      %broadcast_in_dim3A_312 = arith.constant 9 : i32
      %broadcast_in_dim3A_313 = vector.broadcast %broadcast_in_dim3A_312 : i32 to vector<16xi32>
      %gather3A_314 = tpu.vector_load_idx %arg10[%add3A_239, %broadcast_in_dim3A_313] : memref<512x32xf32, #tpu.memory_space<vmem>>[vector<16xi32>, vector<16xi32>], vector<16xf32>,
      %gather3A_315 = tpu.vector_load_idx %arg11[%add3A_239, %broadcast_in_dim3A_313] : memref<512x32xf32, #tpu.memory_space<vmem>>[vector<16xi32>, vector<16xi32>], vector<16xf32>,
      %mul3A_316 = arith.mulf %gather3A_314, %gather3A_315 : vector<16xf32>
      %mul3A_317 = vector.broadcast %squeeze3A_183 : f32 to vector<16xf32>
      %mul3A_318 = arith.mulf %mul3A_316, %mul3A_317 : vector<16xf32>
      %add3A_319 = arith.addf %add3A_311, %mul3A_318 : vector<16xf32>
      %broadcast_in_dim3A_320 = arith.constant 10 : i32
      %broadcast_in_dim3A_321 = vector.broadcast %broadcast_in_dim3A_320 : i32 to vector<16xi32>
      %gather3A_322 = tpu.vector_load_idx %arg10[%add3A_239, %broadcast_in_dim3A_321] : memref<512x32xf32, #tpu.memory_space<vmem>>[vector<16xi32>, vector<16xi32>], vector<16xf32>,
      %gather3A_323 = tpu.vector_load_idx %arg11[%add3A_239, %broadcast_in_dim3A_321] : memref<512x32xf32, #tpu.memory_space<vmem>>[vector<16xi32>, vector<16xi32>], vector<16xf32>,
      %mul3A_324 = arith.mulf %gather3A_322, %gather3A_323 : vector<16xf32>
      %mul3A_325 = vector.broadcast %squeeze3A_185 : f32 to vector<16xf32>
      %mul3A_326 = arith.mulf %mul3A_324, %mul3A_325 : vector<16xf32>
      %add3A_327 = arith.addf %add3A_319, %mul3A_326 : vector<16xf32>
      %broadcast_in_dim3A_328 = arith.constant 11 : i32
      %broadcast_in_dim3A_329 = vector.broadcast %broadcast_in_dim3A_328 : i32 to vector<16xi32>
      %gather3A_330 = tpu.vector_load_idx %arg10[%add3A_239, %broadcast_in_dim3A_329] : memref<512x32xf32, #tpu.memory_space<vmem>>[vector<16xi32>, vector<16xi32>], vector<16xf32>,
      %gather3A_331 = tpu.vector_load_idx %arg11[%add3A_239, %broadcast_in_dim3A_329] : memref<512x32xf32, #tpu.memory_space<vmem>>[vector<16xi32>, vector<16xi32>], vector<16xf32>,
      %mul3A_332 = arith.mulf %gather3A_330, %gather3A_331 : vector<16xf32>
      %mul3A_333 = vector.broadcast %squeeze3A_187 : f32 to vector<16xf32>
      %mul3A_334 = arith.mulf %mul3A_332, %mul3A_333 : vector<16xf32>
      %add3A_335 = arith.addf %add3A_327, %mul3A_334 : vector<16xf32>
      %broadcast_in_dim3A_336 = arith.constant 12 : i32
      %broadcast_in_dim3A_337 = vector.broadcast %broadcast_in_dim3A_336 : i32 to vector<16xi32>
      %gather3A_338 = tpu.vector_load_idx %arg10[%add3A_239, %broadcast_in_dim3A_337] : memref<512x32xf32, #tpu.memory_space<vmem>>[vector<16xi32>, vector<16xi32>], vector<16xf32>,
      %gather3A_339 = tpu.vector_load_idx %arg11[%add3A_239, %broadcast_in_dim3A_337] : memref<512x32xf32, #tpu.memory_space<vmem>>[vector<16xi32>, vector<16xi32>], vector<16xf32>,
      %mul3A_340 = arith.mulf %gather3A_338, %gather3A_339 : vector<16xf32>
      %mul3A_341 = vector.broadcast %squeeze3A_189 : f32 to vector<16xf32>
      %mul3A_342 = arith.mulf %mul3A_340, %mul3A_341 : vector<16xf32>
      %add3A_343 = arith.addf %add3A_335, %mul3A_342 : vector<16xf32>
      %broadcast_in_dim3A_344 = arith.constant 13 : i32
      %broadcast_in_dim3A_345 = vector.broadcast %broadcast_in_dim3A_344 : i32 to vector<16xi32>
      %gather3A_346 = tpu.vector_load_idx %arg10[%add3A_239, %broadcast_in_dim3A_345] : memref<512x32xf32, #tpu.memory_space<vmem>>[vector<16xi32>, vector<16xi32>], vector<16xf32>,
      %gather3A_347 = tpu.vector_load_idx %arg11[%add3A_239, %broadcast_in_dim3A_345] : memref<512x32xf32, #tpu.memory_space<vmem>>[vector<16xi32>, vector<16xi32>], vector<16xf32>,
      %mul3A_348 = arith.mulf %gather3A_346, %gather3A_347 : vector<16xf32>
      %mul3A_349 = vector.broadcast %squeeze3A_191 : f32 to vector<16xf32>
      %mul3A_350 = arith.mulf %mul3A_348, %mul3A_349 : vector<16xf32>
      %add3A_351 = arith.addf %add3A_343, %mul3A_350 : vector<16xf32>
      %broadcast_in_dim3A_352 = arith.constant 14 : i32
      %broadcast_in_dim3A_353 = vector.broadcast %broadcast_in_dim3A_352 : i32 to vector<16xi32>
      %gather3A_354 = tpu.vector_load_idx %arg10[%add3A_239, %broadcast_in_dim3A_353] : memref<512x32xf32, #tpu.memory_space<vmem>>[vector<16xi32>, vector<16xi32>], vector<16xf32>,
      %gather3A_355 = tpu.vector_load_idx %arg11[%add3A_239, %broadcast_in_dim3A_353] : memref<512x32xf32, #tpu.memory_space<vmem>>[vector<16xi32>, vector<16xi32>], vector<16xf32>,
      %mul3A_356 = arith.mulf %gather3A_354, %gather3A_355 : vector<16xf32>
      %mul3A_357 = vector.broadcast %squeeze3A_193 : f32 to vector<16xf32>
      %mul3A_358 = arith.mulf %mul3A_356, %mul3A_357 : vector<16xf32>
      %add3A_359 = arith.addf %add3A_351, %mul3A_358 : vector<16xf32>
      %broadcast_in_dim3A_360 = arith.constant 15 : i32
      %broadcast_in_dim3A_361 = vector.broadcast %broadcast_in_dim3A_360 : i32 to vector<16xi32>
      %gather3A_362 = tpu.vector_load_idx %arg10[%add3A_239, %broadcast_in_dim3A_361] : memref<512x32xf32, #tpu.memory_space<vmem>>[vector<16xi32>, vector<16xi32>], vector<16xf32>,
      %gather3A_363 = tpu.vector_load_idx %arg11[%add3A_239, %broadcast_in_dim3A_361] : memref<512x32xf32, #tpu.memory_space<vmem>>[vector<16xi32>, vector<16xi32>], vector<16xf32>,
      %mul3A_364 = arith.mulf %gather3A_362, %gather3A_363 : vector<16xf32>
      %mul3A_365 = vector.broadcast %squeeze3A_195 : f32 to vector<16xf32>
      %mul3A_366 = arith.mulf %mul3A_364, %mul3A_365 : vector<16xf32>
      %add3A_367 = arith.addf %add3A_359, %mul3A_366 : vector<16xf32>
      %broadcast_in_dim3A_368 = arith.constant 16 : i32
      %broadcast_in_dim3A_369 = vector.broadcast %broadcast_in_dim3A_368 : i32 to vector<16xi32>
      %gather3A_370 = tpu.vector_load_idx %arg10[%add3A_239, %broadcast_in_dim3A_369] : memref<512x32xf32, #tpu.memory_space<vmem>>[vector<16xi32>, vector<16xi32>], vector<16xf32>,
      %gather3A_371 = tpu.vector_load_idx %arg11[%add3A_239, %broadcast_in_dim3A_369] : memref<512x32xf32, #tpu.memory_space<vmem>>[vector<16xi32>, vector<16xi32>], vector<16xf32>,
      %mul3A_372 = arith.mulf %gather3A_370, %gather3A_371 : vector<16xf32>
      %mul3A_373 = vector.broadcast %squeeze3A_197 : f32 to vector<16xf32>
      %mul3A_374 = arith.mulf %mul3A_372, %mul3A_373 : vector<16xf32>
      %add3A_375 = arith.addf %add3A_367, %mul3A_374 : vector<16xf32>
      %broadcast_in_dim3A_376 = arith.constant 17 : i32
      %broadcast_in_dim3A_377 = vector.broadcast %broadcast_in_dim3A_376 : i32 to vector<16xi32>
      %gather3A_378 = tpu.vector_load_idx %arg10[%add3A_239, %broadcast_in_dim3A_377] : memref<512x32xf32, #tpu.memory_space<vmem>>[vector<16xi32>, vector<16xi32>], vector<16xf32>,
      %gather3A_379 = tpu.vector_load_idx %arg11[%add3A_239, %broadcast_in_dim3A_377] : memref<512x32xf32, #tpu.memory_space<vmem>>[vector<16xi32>, vector<16xi32>], vector<16xf32>,
      %mul3A_380 = arith.mulf %gather3A_378, %gather3A_379 : vector<16xf32>
      %mul3A_381 = vector.broadcast %squeeze3A_199 : f32 to vector<16xf32>
      %mul3A_382 = arith.mulf %mul3A_380, %mul3A_381 : vector<16xf32>
      %add3A_383 = arith.addf %add3A_375, %mul3A_382 : vector<16xf32>
      %broadcast_in_dim3A_384 = arith.constant 18 : i32
      %broadcast_in_dim3A_385 = vector.broadcast %broadcast_in_dim3A_384 : i32 to vector<16xi32>
      %gather3A_386 = tpu.vector_load_idx %arg10[%add3A_239, %broadcast_in_dim3A_385] : memref<512x32xf32, #tpu.memory_space<vmem>>[vector<16xi32>, vector<16xi32>], vector<16xf32>,
      %gather3A_387 = tpu.vector_load_idx %arg11[%add3A_239, %broadcast_in_dim3A_385] : memref<512x32xf32, #tpu.memory_space<vmem>>[vector<16xi32>, vector<16xi32>], vector<16xf32>,
      %mul3A_388 = arith.mulf %gather3A_386, %gather3A_387 : vector<16xf32>
      %mul3A_389 = vector.broadcast %squeeze3A_201 : f32 to vector<16xf32>
      %mul3A_390 = arith.mulf %mul3A_388, %mul3A_389 : vector<16xf32>
      %add3A_391 = arith.addf %add3A_383, %mul3A_390 : vector<16xf32>
      %broadcast_in_dim3A_392 = arith.constant 19 : i32
      %broadcast_in_dim3A_393 = vector.broadcast %broadcast_in_dim3A_392 : i32 to vector<16xi32>
      %gather3A_394 = tpu.vector_load_idx %arg10[%add3A_239, %broadcast_in_dim3A_393] : memref<512x32xf32, #tpu.memory_space<vmem>>[vector<16xi32>, vector<16xi32>], vector<16xf32>,
      %gather3A_395 = tpu.vector_load_idx %arg11[%add3A_239, %broadcast_in_dim3A_393] : memref<512x32xf32, #tpu.memory_space<vmem>>[vector<16xi32>, vector<16xi32>], vector<16xf32>,
      %mul3A_396 = arith.mulf %gather3A_394, %gather3A_395 : vector<16xf32>
      %mul3A_397 = vector.broadcast %squeeze3A_203 : f32 to vector<16xf32>
      %mul3A_398 = arith.mulf %mul3A_396, %mul3A_397 : vector<16xf32>
      %add3A_399 = arith.addf %add3A_391, %mul3A_398 : vector<16xf32>
      %broadcast_in_dim3A_400 = arith.constant 20 : i32
      %broadcast_in_dim3A_401 = vector.broadcast %broadcast_in_dim3A_400 : i32 to vector<16xi32>
      %gather3A_402 = tpu.vector_load_idx %arg10[%add3A_239, %broadcast_in_dim3A_401] : memref<512x32xf32, #tpu.memory_space<vmem>>[vector<16xi32>, vector<16xi32>], vector<16xf32>,
      %gather3A_403 = tpu.vector_load_idx %arg11[%add3A_239, %broadcast_in_dim3A_401] : memref<512x32xf32, #tpu.memory_space<vmem>>[vector<16xi32>, vector<16xi32>], vector<16xf32>,
      %mul3A_404 = arith.mulf %gather3A_402, %gather3A_403 : vector<16xf32>
      %mul3A_405 = vector.broadcast %squeeze3A_205 : f32 to vector<16xf32>
      %mul3A_406 = arith.mulf %mul3A_404, %mul3A_405 : vector<16xf32>
      %add3A_407 = arith.addf %add3A_399, %mul3A_406 : vector<16xf32>
      %broadcast_in_dim3A_408 = arith.constant 21 : i32
      %broadcast_in_dim3A_409 = vector.broadcast %broadcast_in_dim3A_408 : i32 to vector<16xi32>
      %gather3A_410 = tpu.vector_load_idx %arg10[%add3A_239, %broadcast_in_dim3A_409] : memref<512x32xf32, #tpu.memory_space<vmem>>[vector<16xi32>, vector<16xi32>], vector<16xf32>,
      %gather3A_411 = tpu.vector_load_idx %arg11[%add3A_239, %broadcast_in_dim3A_409] : memref<512x32xf32, #tpu.memory_space<vmem>>[vector<16xi32>, vector<16xi32>], vector<16xf32>,
      %mul3A_412 = arith.mulf %gather3A_410, %gather3A_411 : vector<16xf32>
      %mul3A_413 = vector.broadcast %squeeze3A_207 : f32 to vector<16xf32>
      %mul3A_414 = arith.mulf %mul3A_412, %mul3A_413 : vector<16xf32>
      %add3A_415 = arith.addf %add3A_407, %mul3A_414 : vector<16xf32>
      %broadcast_in_dim3A_416 = arith.constant 22 : i32
      %broadcast_in_dim3A_417 = vector.broadcast %broadcast_in_dim3A_416 : i32 to vector<16xi32>
      %gather3A_418 = tpu.vector_load_idx %arg10[%add3A_239, %broadcast_in_dim3A_417] : memref<512x32xf32, #tpu.memory_space<vmem>>[vector<16xi32>, vector<16xi32>], vector<16xf32>,
      %gather3A_419 = tpu.vector_load_idx %arg11[%add3A_239, %broadcast_in_dim3A_417] : memref<512x32xf32, #tpu.memory_space<vmem>>[vector<16xi32>, vector<16xi32>], vector<16xf32>,
      %mul3A_420 = arith.mulf %gather3A_418, %gather3A_419 : vector<16xf32>
      %mul3A_421 = vector.broadcast %squeeze3A_209 : f32 to vector<16xf32>
      %mul3A_422 = arith.mulf %mul3A_420, %mul3A_421 : vector<16xf32>
      %add3A_423 = arith.addf %add3A_415, %mul3A_422 : vector<16xf32>
      %broadcast_in_dim3A_424 = arith.constant 23 : i32
      %broadcast_in_dim3A_425 = vector.broadcast %broadcast_in_dim3A_424 : i32 to vector<16xi32>
      %gather3A_426 = tpu.vector_load_idx %arg10[%add3A_239, %broadcast_in_dim3A_425] : memref<512x32xf32, #tpu.memory_space<vmem>>[vector<16xi32>, vector<16xi32>], vector<16xf32>,
      %gather3A_427 = tpu.vector_load_idx %arg11[%add3A_239, %broadcast_in_dim3A_425] : memref<512x32xf32, #tpu.memory_space<vmem>>[vector<16xi32>, vector<16xi32>], vector<16xf32>,
      %mul3A_428 = arith.mulf %gather3A_426, %gather3A_427 : vector<16xf32>
      %mul3A_429 = vector.broadcast %squeeze3A_211 : f32 to vector<16xf32>
      %mul3A_430 = arith.mulf %mul3A_428, %mul3A_429 : vector<16xf32>
      %add3A_431 = arith.addf %add3A_423, %mul3A_430 : vector<16xf32>
      %broadcast_in_dim3A_432 = arith.constant 24 : i32
      %broadcast_in_dim3A_433 = vector.broadcast %broadcast_in_dim3A_432 : i32 to vector<16xi32>
      %gather3A_434 = tpu.vector_load_idx %arg10[%add3A_239, %broadcast_in_dim3A_433] : memref<512x32xf32, #tpu.memory_space<vmem>>[vector<16xi32>, vector<16xi32>], vector<16xf32>,
      %gather3A_435 = tpu.vector_load_idx %arg11[%add3A_239, %broadcast_in_dim3A_433] : memref<512x32xf32, #tpu.memory_space<vmem>>[vector<16xi32>, vector<16xi32>], vector<16xf32>,
      %mul3A_436 = arith.mulf %gather3A_434, %gather3A_435 : vector<16xf32>
      %mul3A_437 = vector.broadcast %squeeze3A_213 : f32 to vector<16xf32>
      %mul3A_438 = arith.mulf %mul3A_436, %mul3A_437 : vector<16xf32>
      %add3A_439 = arith.addf %add3A_431, %mul3A_438 : vector<16xf32>
      %broadcast_in_dim3A_440 = arith.constant 25 : i32
      %broadcast_in_dim3A_441 = vector.broadcast %broadcast_in_dim3A_440 : i32 to vector<16xi32>
      %gather3A_442 = tpu.vector_load_idx %arg10[%add3A_239, %broadcast_in_dim3A_441] : memref<512x32xf32, #tpu.memory_space<vmem>>[vector<16xi32>, vector<16xi32>], vector<16xf32>,
      %gather3A_443 = tpu.vector_load_idx %arg11[%add3A_239, %broadcast_in_dim3A_441] : memref<512x32xf32, #tpu.memory_space<vmem>>[vector<16xi32>, vector<16xi32>], vector<16xf32>,
      %mul3A_444 = arith.mulf %gather3A_442, %gather3A_443 : vector<16xf32>
      %mul3A_445 = vector.broadcast %squeeze3A_215 : f32 to vector<16xf32>
      %mul3A_446 = arith.mulf %mul3A_444, %mul3A_445 : vector<16xf32>
      %add3A_447 = arith.addf %add3A_439, %mul3A_446 : vector<16xf32>
      %broadcast_in_dim3A_448 = arith.constant 26 : i32
      %broadcast_in_dim3A_449 = vector.broadcast %broadcast_in_dim3A_448 : i32 to vector<16xi32>
      %gather3A_450 = tpu.vector_load_idx %arg10[%add3A_239, %broadcast_in_dim3A_449] : memref<512x32xf32, #tpu.memory_space<vmem>>[vector<16xi32>, vector<16xi32>], vector<16xf32>,
      %gather3A_451 = tpu.vector_load_idx %arg11[%add3A_239, %broadcast_in_dim3A_449] : memref<512x32xf32, #tpu.memory_space<vmem>>[vector<16xi32>, vector<16xi32>], vector<16xf32>,
      %mul3A_452 = arith.mulf %gather3A_450, %gather3A_451 : vector<16xf32>
      %mul3A_453 = vector.broadcast %squeeze3A_217 : f32 to vector<16xf32>
      %mul3A_454 = arith.mulf %mul3A_452, %mul3A_453 : vector<16xf32>
      %add3A_455 = arith.addf %add3A_447, %mul3A_454 : vector<16xf32>
      %broadcast_in_dim3A_456 = arith.constant 27 : i32
      %broadcast_in_dim3A_457 = vector.broadcast %broadcast_in_dim3A_456 : i32 to vector<16xi32>
      %gather3A_458 = tpu.vector_load_idx %arg10[%add3A_239, %broadcast_in_dim3A_457] : memref<512x32xf32, #tpu.memory_space<vmem>>[vector<16xi32>, vector<16xi32>], vector<16xf32>,
      %gather3A_459 = tpu.vector_load_idx %arg11[%add3A_239, %broadcast_in_dim3A_457] : memref<512x32xf32, #tpu.memory_space<vmem>>[vector<16xi32>, vector<16xi32>], vector<16xf32>,
      %mul3A_460 = arith.mulf %gather3A_458, %gather3A_459 : vector<16xf32>
      %mul3A_461 = vector.broadcast %squeeze3A_219 : f32 to vector<16xf32>
      %mul3A_462 = arith.mulf %mul3A_460, %mul3A_461 : vector<16xf32>
      %add3A_463 = arith.addf %add3A_455, %mul3A_462 : vector<16xf32>
      %broadcast_in_dim3A_464 = arith.constant 28 : i32
      %broadcast_in_dim3A_465 = vector.broadcast %broadcast_in_dim3A_464 : i32 to vector<16xi32>
      %gather3A_466 = tpu.vector_load_idx %arg10[%add3A_239, %broadcast_in_dim3A_465] : memref<512x32xf32, #tpu.memory_space<vmem>>[vector<16xi32>, vector<16xi32>], vector<16xf32>,
      %gather3A_467 = tpu.vector_load_idx %arg11[%add3A_239, %broadcast_in_dim3A_465] : memref<512x32xf32, #tpu.memory_space<vmem>>[vector<16xi32>, vector<16xi32>], vector<16xf32>,
      %mul3A_468 = arith.mulf %gather3A_466, %gather3A_467 : vector<16xf32>
      %mul3A_469 = vector.broadcast %squeeze3A_221 : f32 to vector<16xf32>
      %mul3A_470 = arith.mulf %mul3A_468, %mul3A_469 : vector<16xf32>
      %add3A_471 = arith.addf %add3A_463, %mul3A_470 : vector<16xf32>
      %broadcast_in_dim3A_472 = arith.constant 29 : i32
      %broadcast_in_dim3A_473 = vector.broadcast %broadcast_in_dim3A_472 : i32 to vector<16xi32>
      %gather3A_474 = tpu.vector_load_idx %arg10[%add3A_239, %broadcast_in_dim3A_473] : memref<512x32xf32, #tpu.memory_space<vmem>>[vector<16xi32>, vector<16xi32>], vector<16xf32>,
      %gather3A_475 = tpu.vector_load_idx %arg11[%add3A_239, %broadcast_in_dim3A_473] : memref<512x32xf32, #tpu.memory_space<vmem>>[vector<16xi32>, vector<16xi32>], vector<16xf32>,
      %mul3A_476 = arith.mulf %gather3A_474, %gather3A_475 : vector<16xf32>
      %mul3A_477 = vector.broadcast %squeeze3A_223 : f32 to vector<16xf32>
      %mul3A_478 = arith.mulf %mul3A_476, %mul3A_477 : vector<16xf32>
      %add3A_479 = arith.addf %add3A_471, %mul3A_478 : vector<16xf32>
      %broadcast_in_dim3A_480 = arith.constant 30 : i32
      %broadcast_in_dim3A_481 = vector.broadcast %broadcast_in_dim3A_480 : i32 to vector<16xi32>
      %gather3A_482 = tpu.vector_load_idx %arg10[%add3A_239, %broadcast_in_dim3A_481] : memref<512x32xf32, #tpu.memory_space<vmem>>[vector<16xi32>, vector<16xi32>], vector<16xf32>,
      %gather3A_483 = tpu.vector_load_idx %arg11[%add3A_239, %broadcast_in_dim3A_481] : memref<512x32xf32, #tpu.memory_space<vmem>>[vector<16xi32>, vector<16xi32>], vector<16xf32>,
      %mul3A_484 = arith.mulf %gather3A_482, %gather3A_483 : vector<16xf32>
      %mul3A_485 = vector.broadcast %squeeze3A_225 : f32 to vector<16xf32>
      %mul3A_486 = arith.mulf %mul3A_484, %mul3A_485 : vector<16xf32>
      %add3A_487 = arith.addf %add3A_479, %mul3A_486 : vector<16xf32>
      %broadcast_in_dim3A_488 = arith.constant 31 : i32
      %broadcast_in_dim3A_489 = vector.broadcast %broadcast_in_dim3A_488 : i32 to vector<16xi32>
      %gather3A_490 = tpu.vector_load_idx %arg10[%add3A_239, %broadcast_in_dim3A_489] : memref<512x32xf32, #tpu.memory_space<vmem>>[vector<16xi32>, vector<16xi32>], vector<16xf32>,
      %gather3A_491 = tpu.vector_load_idx %arg11[%add3A_239, %broadcast_in_dim3A_489] : memref<512x32xf32, #tpu.memory_space<vmem>>[vector<16xi32>, vector<16xi32>], vector<16xf32>,
      %mul3A_492 = arith.mulf %gather3A_490, %gather3A_491 : vector<16xf32>
      %mul3A_493 = vector.broadcast %squeeze3A_227 : f32 to vector<16xf32>
      %mul3A_494 = arith.mulf %mul3A_492, %mul3A_493 : vector<16xf32>
      %add3A_495 = arith.addf %add3A_487, %mul3A_494 : vector<16xf32>
      %neg3A = arith.constant 0.000000e+00 : f32
      %neg3A_496 = vector.broadcast %neg3A : f32 to vector<16xf32>
      %neg3A_497 = arith.subf %neg3A_496, %add3A_495 : vector<16xf32>
      %exp3A = math.exp %neg3A_497 : vector<16xf32>
      %add3A_498 = arith.constant 1.000000e+00 : f32
      %add3A_499 = vector.broadcast %add3A_498 : f32 to vector<16xf32>
      %add3A_500 = arith.addf %add3A_499, %exp3A : vector<16xf32>
      %div3A = arith.constant 1.000000e+00 : f32
      %div3A_501 = vector.broadcast %div3A : f32 to vector<16xf32>
      %div3A_502 = arith.divf %div3A_501, %add3A_500 : vector<16xf32>
      %mul3A_503 = arith.constant 16 : i32
      %mul3A_504 = arith.muli %scan3A_234, %mul3A_503 : i32
      %swap3A = arith.index_cast %mul3A_504 : i32 to index
      %swap3A_505 = tpu.vector_load %arg13[%swap3A] {strides = array<i32>} : memref<512xf32, #tpu.memory_space<vmem>>, vector<16xf32>,
      tpu.vector_store %arg13[%swap3A], %div3A_502 {strides = array<i32>} : memref<512xf32, #tpu.memory_space<vmem>>, vector<16xf32>,
      %scan3A_506 = arith.constant 0 : i32
      scf.yield %scan3A_506 : i32
    }
    %scan3A_233 = arith.constant 32 : i32
    "tpu.region"() ({
      %run_scoped3A = tpu.sem_alloc : memref<!tpu.dma_semaphore, #tpu.memory_space<semaphore_mem>>
      %dma_start3A_234 = tpu.memref_slice %arg7[%mul3A_4] : memref<16384xf32, #tpu.memory_space<hbm>> -> memref<512xf32, #tpu.memory_space<hbm>>
      %dma_start3A_235 = tpu.memref_slice %arg7[%mul3A_4] : memref<16384xf32, #tpu.memory_space<hbm>> -> memref<512xf32, #tpu.memory_space<hbm>>
      tpu.enqueue_dma source(%arg13 : memref<512xf32, #tpu.memory_space<vmem>>) target(%dma_start3A_235 : memref<512xf32, #tpu.memory_space<hbm>>) target_semaphore(%run_scoped3A : memref<!tpu.dma_semaphore, #tpu.memory_space<semaphore_mem>>)
      %dma_wait3A_236 = tpu.memref_slice %arg7[%mul3A_4] : memref<16384xf32, #tpu.memory_space<hbm>> -> memref<512xf32, #tpu.memory_space<hbm>>
      %dma_wait3A_237 = tpu.memref_slice %arg7[%mul3A_4] : memref<16384xf32, #tpu.memory_space<hbm>> -> memref<512xf32, #tpu.memory_space<hbm>>
      tpu.wait_dma2 semaphore(%run_scoped3A : memref<!tpu.dma_semaphore, #tpu.memory_space<semaphore_mem>>) src(%arg13 : memref<512xf32, #tpu.memory_space<vmem>>) dst(%dma_wait3A_237 : memref<512xf32, #tpu.memory_space<hbm>>)
      tpu.yield
    }) : () -> ()
    return
  }
}

</mosaic_0001>

<sc_bundles>
// kernel: kernel.3.cloned.1.call-start
scs
__scs_entry_jumppad:
0x0: {  	(pc) =	sbr.rel $0x88, $3  }
0x1: {  	(tag) =	ssettag $0x0;
	lr =	simm.s32 $0x1  }
0x2: {  	[smem:$0x3F9C] =	sst lr;
	_ =	strace $0xD0000000  }
0x3: {  	_ = 	snop  }
0x4: {  	_ = 	snop  }
0x5: {  	_ = 	snop  }
0x6: {  	_ = 	snop  }
0x7: {  	_ = 	snop  }
__scs_overlays_trampoline_lowered:
0x8: {  	[smem:$0x3FAB] =	sst s0  }
0x9: {  	[smem:$0x3FAC] =	sst s1  }
0xa: {  	[smem:$0x3FAD] =	sst s2  }
0xb: {  	[smem:$0x3FAE] =	sst s3  }
0xc: {  	[smem:$0x3FAF] =	sst s4  }
0xd: {  	[smem:$0x3FB0] =	sst s5  }
0xe: {  	[smem:$0x3FB1] =	sst s6  }
0xf: {  	[smem:$0x3FB2] =	sst s7  }
0x10: {  	[smem:$0x3FB3] =	sst s8  }
0x11: {  	[smem:$0x3FB4] =	sst s9;
	s0 =	simm.s32 @!p0 $0x0  }
0x12: {  	s1 =	sld [smem:$0x3F9A];
	s0 =	simm.s32 @p0 $0x1  }
0x13: {  	[smem:$0x3FB5] =	sst s0;
	s0 =	simm.s32 @!p1 $0x0  }
0x14: {  	s2 =	sld [smem:$0x3F99];
	s0 =	simm.s32 @p1 $0x1  }
0x15: {  	[smem:$0x3FB6] =	sst s0;
	s0 =	simm.s32 @!p2 $0x0  }
0x16: {  	s3 =	sld [smem:$0x3FDB];
	s0 =	simm.s32 @p2 $0x1  }
0x17: {  	s4 =	simm.s32 $0x1BF5;
	[smem:$0x3FB8] =	sst s0  }
0x18: {  	s0 =	sld [smem:$0x3F9B];
	_ =	swait.ge [sflag:s4], $0x0  }
0x19: {  	s7 =	sld [smem:$0x3F9C]  }
0x1a: {  	s8 =	sadd.s32 $0xFFFFE003, lr  }
0x1b: {  	s9 =	sadd.s32 $0xFFFFFEF7, lr;
	s5 =	simm.s32 $0xFFFFFFFF;
	p2 =	slt.u32 s8, $0xFFFFF086  }
0x1c: {  	p1 =	slt.u32 s9, $0xF7A;
	s5 =	simm.s32 @!p2 $0x0  }
0x1d: {  	s5 =	simm.s32 @p1 $0x1;
	p0 =	seq.s32 s7, s2  }
0x1e: {  	s7 =	smul.u32 @!p0 $0xF7A, s2;
	p2 =	seq.s32 @!p0 s5, $0x0  }
0x1f: {  	s9 =	smul.u32 $0xF7A, s1;
	s8 =	simm.s32 @!p0 $0x1BF5;
	p2 =	por !p2, p0  }
0x20: {  	[sflag:s8] =	ssyncset.s32 @!p0 $0xFFFFF086;
	s6 =	sadd.s32 @!p0 s3, s7;
	s7 =	simm.s32 @!p0 $0x108  }
0x21: {  	s3 =	sadd.s32 s3, s9;
	s6 =	sadd.s32 @!p0 $0x88, s6;
	s7 =	simm.s32 @p2 $0x1082  }
0x22: {  	[simem:s7], [sflag:s8] =	dma.local @!p0 [hbm:s6], $0xF7A  }
0x23: {  	s9 =	sor.u32 $0xD0000000, s2;
	s6 =	simm.s32 $0x108;
	_ =	swait.ge @!p0 [sflag:s8], $0x0  }
0x24: {  	s3 =	sadd.s32 $0x88, s3;
	s6 =	simm.s32 @!p1 $0x1082;
	[sflag:s4] =	ssyncset.s32 $0xFFFFF086  }
0x25: {  	[simem:s6], [sflag:s4] =	dma.local [hbm:s3], $0xF7A  }
0x26: {  	[smem:$0x3F9C] =	sst s1;
	(tag) =	ssettag s2;
	_ =	strace s9  }
0x27: {  	s1 =	sld [smem:$0x3FAC]  }
0x28: {  	s2 =	sld [smem:$0x3FAD]  }
0x29: {  	s4 =	sld [smem:$0x3FAF]  }
0x2a: {  	p0 =	seq.s32 s5, $0x0;
	s5 =	sld [smem:$0x3FB0]  }
0x2b: {  	s6 =	sld [smem:$0x3FB1]  }
0x2c: {  	s7 =	sld [smem:$0x3FB2]  }
0x2d: {  	s3 =	simm.s32 $0x108;
	s8 =	sld [smem:$0x3FB3]  }
0x2e: {  	s3 =	simm.s32 @!p0 $0x1082;
	s9 =	sld [smem:$0x3FB4]  }
0x2f: {  	lr =	sadd.s32 s0, s3;
	s0 =	sld [smem:$0x3FAB]  }
0x30: {  	s3 =	sld [smem:$0x3FAE]  }
0x31: {  	[smem:$0x3FB7] =	sst s10  }
0x32: {  	s10 =	sld [smem:$0x3FB5];
	_ =	sdelay $0x3  }
0x33: {  	p0 =	seq.s32 s10, $0x1;
	s10 =	sld [smem:$0x3FB7];
	_ =	sdelay $0x3  }
0x34: {  	[smem:$0x3FB7] =	sst s10  }
0x35: {  	s10 =	sld [smem:$0x3FB6];
	_ =	sdelay $0x3  }
0x36: {  	p1 =	seq.s32 s10, $0x1;
	s10 =	sld [smem:$0x3FB7];
	_ =	sdelay $0x3  }
0x37: {  	[smem:$0x3FB7] =	sst s10  }
0x38: {  	s10 =	sld [smem:$0x3FB8]  }
0x39: {  	_ = 	snop;
	(pc) =	sbr.ind lr, $3  }
0x3a: {  	_ = 	snop  }
0x3b: {  	_ = 	snop  }
0x3c: {  	p2 =	seq.s32 s10, $0x1;
	s10 =	sld [smem:$0x3FB7]  }
0x3d: {  	_ =	shalt  }
0x3e: {  	_ =	shalt  }
0x3f: {  	_ =	shalt  }
0x40: {  	_ =	shalt  }
0x41: {  	_ =	shalt  }
0x42: {  	_ =	shalt  }
0x43: {  	_ =	shalt  }
0x44: {  	_ =	shalt  }
0x45: {  	_ =	shalt  }
0x46: {  	_ =	shalt  }
0x47: {  	_ =	shalt  }
0x48: {  	_ =	shalt  }
0x49: {  	_ =	shalt  }
0x4a: {  	_ =	shalt  }
0x4b: {  	_ =	shalt  }
0x4c: {  	_ =	shalt  }
0x4d: {  	_ =	shalt  }
0x4e: {  	_ =	shalt  }
0x4f: {  	_ =	shalt  }
0x50: {  	_ =	shalt  }
0x51: {  	_ =	shalt  }
0x52: {  	_ =	shalt  }
0x53: {  	_ =	shalt  }
0x54: {  	_ =	shalt  }
0x55: {  	_ =	shalt  }
0x56: {  	_ =	shalt  }
0x57: {  	_ =	shalt  }
0x58: {  	_ =	shalt  }
0x59: {  	_ =	shalt  }
0x5a: {  	_ =	shalt  }
0x5b: {  	_ =	shalt  }
0x5c: {  	_ =	shalt  }
0x5d: {  	_ =	shalt  }
0x5e: {  	_ =	shalt  }
0x5f: {  	_ =	shalt  }
0x60: {  	_ =	shalt  }
0x61: {  	_ =	shalt  }
0x62: {  	_ =	shalt  }
0x63: {  	_ =	shalt  }
0x64: {  	_ =	shalt  }
0x65: {  	_ =	shalt  }
0x66: {  	_ =	shalt  }
0x67: {  	_ =	shalt  }
0x68: {  	_ =	shalt  }
0x69: {  	_ =	shalt  }
0x6a: {  	_ =	shalt  }
0x6b: {  	_ =	shalt  }
0x6c: {  	_ =	shalt  }
0x6d: {  	_ =	shalt  }
0x6e: {  	_ =	shalt  }
0x6f: {  	_ =	shalt  }
0x70: {  	_ =	shalt  }
0x71: {  	_ =	shalt  }
0x72: {  	_ =	shalt  }
0x73: {  	_ =	shalt  }
0x74: {  	_ =	shalt  }
0x75: {  	_ =	shalt  }
0x76: {  	_ =	shalt  }
0x77: {  	_ =	shalt  }
0x78: {  	_ =	shalt  }
0x79: {  	_ =	shalt  }
0x7a: {  	_ =	shalt  }
0x7b: {  	_ =	shalt  }
0x7c: {  	_ =	shalt  }
0x7d: {  	_ =	shalt  }
0x7e: {  	_ =	shalt  }
0x7f: {  	_ =	shalt  }
0x80: {  	_ =	shalt  }
0x81: {  	_ =	shalt  }
0x82: {  	_ =	shalt  }
0x83: {  	_ =	shalt  }
0x84: {  	_ =	shalt  }
0x85: {  	_ =	shalt  }
0x86: {  	_ =	shalt  }
0x87: {  	_ =	shalt  }
.Lfunc_end0:
.L_simem_size_0:
called_computation_lowered:
.L_overlay_start_0:
0x88: {  	s2 =	sld [smem:$0x3FD9]  }
0x89: {  	s3 =	sld [smem:$0x3FFE];
	_ =	sdelay $0x1  }
0x8a: {  	s1 =	srdreg.scid  }
0x8b: {  	s0 =	sand.u32 $0x1, s1  }
0x8c: {  	s17 =	sshll.u32 s0, $0xA;
	s2 =	sadd.s32 s3, s2  }
0x8d: {  	s2 =	sadd.s32 s2, s17  }
0x8e: {  	[smem:$0x3FC3] =	sst s2  }
0x8f: {  	_ = 	snop  }
0x90: {  	s2 =	sld [smem:$0x3FC9]  }
0x91: {  	s18 =	sld [smem:$0x3FC8]  }
0x92: {  	s4 =	sld [smem:$0x3FC5]  }
0x93: {  	s5 =	sld [smem:$0x3FD0];
	(tm) =	ssettm $0x1  }
0x94: {  	s6 =	sld [smem:$0x3FFB];
	_ =	sdelay $0x3  }
0x95: {  	_ =	strace s6  }
0x96: {  	s6 =	sld [smem:$0x3FFC];
	_ =	sdelay $0x3  }
0x97: {  	_ =	strace s6  }
0x98: {  	s6 =	sld [smem:$0x3FFD];
	_ =	sdelay $0x3  }
0x99: {  	_ =	strace s6  }
0x9a: {  	_ =	strace $0x8FFFFFFF  }
0x9b: {  	s19 =	sld [smem:$0x3FDB];
	_ =	sdelay $0x1  }
0x9c: {  	s7 =	simm.s32 $_scs_section_size  }
0x9d: {  	s8 =	simm.s32 $_size__tile_overlayer_lowered;
	s9 =	simm.s32 $_tile_overlayer_lowered  }
0x9e: {  	s22 =	simm.s32 $0x1BFF;
	s21 =	sshll.u32 s9, $0x1;
	s6 =	sadd.s32 s7, s19  }
0x9f: {  	s10 =	simm.s32 $0x0;
	s20 =	sshll.u32 s8, $0x1;
	s8 =	sadd.s32 s21, s6  }
0xa0: {  	[timem:s10], [sflag:s22] =	dma.local [hbm:s8], s20  }
0xa1: {  	_ =	swait.ge [sflag:s22], s20  }
0xa2: {  	s7 =	ssub.s32 $0x0, s20;
	[sflag:s22] =	ssyncset.done $0x0  }
0xa3: {  	[sflag:s22] =	ssyncadd.s32 s7;
	_ =	sdelay $0x1  }
0xa4: {  	s23 =	simm.s32 $0x1B8B  }
0xa5: {  	_ =	swait.ge [sflag:s23], $0x1  }
0xa6: {  	[sflag:s23] =	ssyncset.done $0x0  }
0xa7: {  	s25 =	simm.s32 $0x1B8E;
	s24 =	sld [smem:$0x3FFE];
	[sflag:s23] =	ssyncadd.s32 $0xFFFFFFFF  }
0xa8: {  	s26 =	simm.s32 $execute0_lowered;
	[smem:$0x3FD2] =	sst s25  }
0xa9: {  	s8 =	sshll.u32 s26, $0x1;
	_ =	strace $0x80000046;
	[dreg:$0x1] =	wrdreg $0xFFFFFFFF  }
0xaa: {  	s28 =	simm.s32 $_size_execute0_lowered;
	s6 =	sadd.s32 s6, s8;
	[dreg:$0x0] =	wrdreg $0x0  }
0xab: {  	s8 =	sshll.u32 s28, $0x1;
	[dreg:$0x2] =	wrdreg s6  }
0xac: {  	[dreg:$0x3] =	wrdreg s8  }
0xad: {  	[dreg:$0x4] =	wrdreg $0xC0  }
0xae: {  	_ =	task [dreg:s10], $0x5FFFF  }
0xaf: {  	[dreg:$0x1] =	wrdreg $0xFFFFFFFF  }
0xb0: {  	[dreg:$0x0] =	wrdreg $0x60  }
0xb1: {  	[dreg:$0x2] =	wrdreg s2  }
0xb2: {  	[dreg:$0x3] =	wrdreg s18  }
0xb3: {  	[dreg:$0x4] =	wrdreg s24  }
0xb4: {  	[dreg:$0x5] =	wrdreg s4  }
0xb5: {  	[dreg:$0x6] =	wrdreg s5  }
0xb6: {  	[dreg:$0x7] =	wrdreg $0x9  }
0xb7: {  	_ =	task.clear_ibuf [dreg:s10], $0x8FFFF;
	_ =	strace $0x90000046  }
0xb8: {  	s29 =	simm.s32 $0x9;
	_ =	strace $0x80000048  }
0xb9: {  	_ =	swait.ge [sflag:s29], $0x1  }
0xba: {  	[sflag:s29] =	ssyncadd.s32 $0xFFFFFFFF  }
0xbb: {  	_ =	strace $0x90000048  }
0xbc: {  	_ =	sfence  }
0xbd: {  	s30 =	sld [smem:$0x0];
	_ =	sdelay $0x2  }
0xbe: {  	s31 =	sshll.u32 s1, $0xD;
	s1 =	sshrl.u32 s1, $0x2  }
0xbf: {  	s3 =	sand.u32 $0x4000, s31;
	s1 =	sadd.s32 s1, s30  }
0xc0: {  	s0 =	sor.u32 s3, s0;
	s1 =	sshll.u32 s1, $0x11  }
0xc1: {  	s0 =	sor.u32 s1, s0  }
0xc2: {  	s0 =	sadd.s32 $0x8F2B, s0  }
0xc3: {  	[sflag:s0] =	ssyncadd.remote.s32 $0x1  }
0xc4: {  	_ =	sfence.sel $0xFFFF  }
0xc5: {  	[dreg:$0x0] =	wrdreg $0xFFFFFFFF;
	(pc) =	sbr.abs _section_cstart, $3  }
0xc6: {  	[dreg:$0x1] =	wrdreg $0xFFFFFFFF  }
0xc7: {  	_ =	task.clear_ibuf [dreg:s10], $0x2FFFF;
	_ =	strace $0x9FFFFFFF  }
0xc8: {  	(tm) =	ssettm $0x7FFFFFFF  }
0xc9: {  	_ =	shalt  }
tec
execute0_lowered:
.L_overlay_start_1:
0x0: {  	(tag) =	ssettag $0x1  }
0x1: {  	s0 =	rddreg [dreg:$0x0]  }
0x2: {  	s7 =	rddreg [dreg:$0x1]  }
0x3: {  	s5 =	rddreg [dreg:$0x2]  }
0x4: {  	s1 =	rddreg [dreg:$0x3]  }
0x5: {  	s8 =	rddreg [dreg:$0x4];
	s2 =	simm.s32 $0x0;
	s3 =	srdreg.scid  }
0x6: {  	s12 =	simm.s32 $0x8400;
	s13 =	simm.s32 $0x80;
	s14 =	simm.s32 $0x400  }
0x7: {  	s15 =	simm.s32 $0x4400;
	s16 =	simm.s32 $0x1400;
	s17 =	simm.s32 $0x280  }
0x8: {  	s18 =	simm.s32 $0x5400;
	s19 =	simm.s32 $0x100;
	s20 =	simm.s32 $0x2400  }
0x9: {  	s21 =	simm.s32 $0x300;
	s22 =	simm.s32 $0x6400;
	s23 =	simm.s32 $0x180  }
0xa: {  	s24 =	simm.s32 $0x3400;
	s25 =	simm.s32 $0x380;
	s26 =	simm.s32 $0x7400  }
0xb: {  	s28 =	simm.s32 $0x1;
	s29 =	simm.s32 $0x8420;
	s30 =	simm.s32 $0x0  }
0xc: {  	[smem:$0x7FF] =	sst s2;
	s6 =	sand.u32 $0x1, s3;
	s4 =	sadd.s32 $0xF42A00, s5  }
0xd: {  	s3 =	stileid.u32;
	s5 =	sadd.s32 $0x187000, s5;
	_ =	strace $0x80000047  }
0xe: {  	s9 =	ssub.s32 $0x2, s6;
	s11 =	sshll.u32 s3, $0x7;
	s6 =	sshll.u32 s6, $0x6  }
0xf: {  	v0 =	vlaneseq.u32;
	s10 =	sshrl.u32 s9, $0x1;
	s31 =	sor.u32 s6, s11;
	s11 =	simm.s32 $0x200  }
0x10: {  	v0 =	vmul.u32 $0x20, v0;
	s9 =	ssub.s32 s9, s10;
	s6 =	sadd.s32 s0, s31;
	s7 =	sadd.s32 s7, s31  }
0x11: {  	s8 =	sadd.s32 s8, s31;
	s10 =	simm.s32 $0x2;
	s9 =	smax.u32 s9, $0x1  }
.LBB2_1:
0x12: {  	[tilespmem:s2], [sflag:$0x2] =	stream.linear.gather [hbm4b:s6+s2], $0x200, $0x38;
	[tilespmem:$0x8620] =	vst v63  }
0x13: {  	_ =	swait.ge [sflag:s10], $0x200  }
0x14: {  	[sflag:s10] =	ssyncset.done $0x0  }
0x15: {  	[sflag:s10] =	ssyncadd.s32 $0xFFFFFE00  }
0x16: {  	[tilespmem:s11], [sflag:$0x2] =	stream.linear.gather [hbm4b:s7+s2], $0x200, $0x38;
	[tilespmem:$0x8620] =	vst v63  }
0x17: {  	_ =	swait.ge [sflag:s10], $0x200  }
0x18: {  	[sflag:s10] =	ssyncset.done $0x0  }
0x19: {  	[sflag:s10] =	ssyncadd.s32 $0xFFFFFE00  }
0x1a: {  	[tilespmem:s12], [sflag:$0x2] =	stream.linear.gather [hbm4b:s1+s2], $0x20, $0x38;
	[tilespmem:$0x8620] =	vst v63  }
0x1b: {  	_ =	swait.ge [sflag:s10], $0x20  }
0x1c: {  	[sflag:s10] =	ssyncset.done $0x0  }
0x1d: {  	[sflag:s10] =	ssyncadd.s32 $0xFFFFFFE0  }
0x1e: {  	[tilespmem:s14], [sflag:$0x1] =	stream.indirect.gather [hbm4b:s4+s13], $0x20, s2, s13, $0xb8;
	[tilespmem:$0x8620] =	vst v63  }
0x1f: {  	_ = 	snop  }
0x20: {  	[tilespmem:s15], [sflag:$0x1] =	stream.indirect.gather [hbm4b:s5+s13], $0x20, s11, s13, $0xb8;
	[tilespmem:$0x8620] =	vst v63  }
0x21: {  	_ = 	snop  }
0x22: {  	[tilespmem:s16], [sflag:$0x1] =	stream.indirect.gather [hbm4b:s4+s13], $0x20, s13, s13, $0xb8;
	[tilespmem:$0x8620] =	vst v63  }
0x23: {  	_ = 	snop  }
0x24: {  	[tilespmem:s18], [sflag:$0x1] =	stream.indirect.gather [hbm4b:s5+s13], $0x20, s17, s13, $0xb8;
	[tilespmem:$0x8620] =	vst v63  }
0x25: {  	_ = 	snop  }
0x26: {  	[tilespmem:s20], [sflag:$0x1] =	stream.indirect.gather [hbm4b:s4+s13], $0x20, s19, s13, $0xb8;
	[tilespmem:$0x8620] =	vst v63  }
0x27: {  	_ = 	snop  }
0x28: {  	[tilespmem:s22], [sflag:$0x1] =	stream.indirect.gather [hbm4b:s5+s13], $0x20, s21, s13, $0xb8;
	[tilespmem:$0x8620] =	vst v63  }
0x29: {  	_ = 	snop  }
0x2a: {  	[tilespmem:s24], [sflag:$0x1] =	stream.indirect.gather [hbm4b:s4+s13], $0x20, s23, s13, $0xb8;
	[tilespmem:$0x8620] =	vst v63  }
0x2b: {  	_ = 	snop  }
0x2c: {  	[tilespmem:s26], [sflag:$0x1] =	stream.indirect.gather [hbm4b:s5+s13], $0x20, s25, s13, $0xb8;
	[tilespmem:$0x8620] =	vst v63  }
0x2d: {  	_ =	swait.ge [sflag:s28], $0x1000  }
0x2e: {  	[sflag:s28] =	ssyncset.done $0x0  }
0x2f: {  	[sflag:s28] =	ssyncadd.s32 $0xFFFFF000  }
0x30: {  	_ =	swait.ge [sflag:s28], $0x1000  }
0x31: {  	[sflag:s28] =	ssyncset.done $0x0  }
0x32: {  	[sflag:s28] =	ssyncadd.s32 $0xFFFFF000  }
0x33: {  	_ =	swait.ge [sflag:s28], $0x1000  }
0x34: {  	[sflag:s28] =	ssyncset.done $0x0  }
0x35: {  	[sflag:s28] =	ssyncadd.s32 $0xFFFFF000  }
0x36: {  	_ =	swait.ge [sflag:s28], $0x1000  }
0x37: {  	[sflag:s28] =	ssyncset.done $0x0  }
0x38: {  	[sflag:s28] =	ssyncadd.s32 $0xFFFFF000  }
0x39: {  	_ =	swait.ge [sflag:s28], $0x1000  }
0x3a: {  	[sflag:s28] =	ssyncset.done $0x0  }
0x3b: {  	[sflag:s28] =	ssyncadd.s32 $0xFFFFF000  }
0x3c: {  	_ =	swait.ge [sflag:s28], $0x1000  }
0x3d: {  	[sflag:s28] =	ssyncset.done $0x0  }
0x3e: {  	[sflag:s28] =	ssyncadd.s32 $0xFFFFF000  }
0x3f: {  	v1 =	vmov s2;
	_ =	swait.ge [sflag:s28], $0x1000  }
0x40: {  	v1 =	vshll.u32 v1, $0x5;
	[sflag:s28] =	ssyncset.done $0x0  }
0x41: {  	v28 =	vor.u32 v0, v1;
	[sflag:s28] =	ssyncadd.s32 $0xFFFFF000  }
0x42: {  	_ =	swait.ge [sflag:s28], $0x1000  }
0x43: {  	v1 =	vor.u32 $0x1, v28;
	[sflag:s28] =	ssyncset.done $0x0  }
0x44: {  	[sflag:s28] =	ssyncadd.s32 $0xFFFFF000  }
0x45: {  	v2 =	vor.u32 $0x2, v28;
	v16 =	vld [tilespmem:$0x8400]  }
0x46: {  	v3 =	vld.idx.msk [tilespmem:v28+s15+$0x0], $0xffff  }
0x47: {  	v6 =	vor.u32 $0x3, v28;
	v4 =	vld.idx.msk [tilespmem:v28+s14+$0x0], $0xffff  }
0x48: {  	v9 =	vor.u32 $0x4, v28;
	v7 =	vld.idx.msk [tilespmem:v1+s14+$0x0], $0xffff  }
0x49: {  	v12 =	vor.u32 $0x5, v28;
	v8 =	vld.idx.msk [tilespmem:v1+s15+$0x0], $0xffff  }
0x4a: {  	v10 =	vld.idx.msk [tilespmem:v2+s14+$0x0], $0xffff  }
0x4b: {  	v11 =	vld.idx.msk [tilespmem:v2+s15+$0x0], $0xffff  }
0x4c: {  	v13 =	vld.idx.msk [tilespmem:v6+s14+$0x0], $0xffff  }
0x4d: {  	v14 =	vld.idx.msk [tilespmem:v9+s14+$0x0], $0xffff  }
0x4e: {  	v15 =	vld.idx.msk [tilespmem:v12+s14+$0x0], $0xffff  }
0x4f: {  	v2 =	vmul.f32 v3, v4;
	v4 =	vld.idx.msk [tilespmem:v6+s15+$0x0], $0xffff;
	v6 =	vor.u32 $0x6, v28  }
0x50: {  	v12 =	vld.idx.msk [tilespmem:v12+s15+$0x0], $0xffff;
	v5 =	vbroadcast v16, $0x0  }
0x51: {  	v1 =	vbroadcast v16, $0x1;
	v7 =	vmul.f32 v8, v7;
	v8 =	vld.idx.msk [tilespmem:v9+s15+$0x0], $0xffff;
	v9 =	vor.u32 $0x7, v28  }
0x52: {  	v10 =	vmul.f32 v11, v10;
	v11 =	vor.u32 $0x8, v28;
	v3 =	vmul.f32 v2, v5;
	_ =	sdelay $0x1  }
0x53: {  	v2 =	vbroadcast v16, $0x2;
	v7 =	vmul.f32 v7, v1;
	v17 =	vadd.f32 $0.0e+00, v3;
	v18 =	vld.idx.msk [tilespmem:v6+s14+$0x0], $0xffff  }
0x54: {  	v12 =	vmul.f32 v12, v15;
	v15 =	vor.u32 $0xB, v28;
	v3 =	vbroadcast v16, $0x3;
	v19 =	vld.idx.msk [tilespmem:v6+s15+$0x0], $0xffff  }
0x55: {  	v10 =	vmul.f32 v10, v2;
	v13 =	vmul.f32 v4, v13;
	v20 =	vld.idx.msk [tilespmem:v9+s14+$0x0], $0xffff;
	v7 =	vadd.f32 v7, v17  }
0x56: {  	v8 =	vmul.f32 v8, v14;
	v14 =	vld.idx.msk [tilespmem:v11+s14+$0x0], $0xffff;
	v17 =	vor.u32 $0x9, v28  }
0x57: {  	v4 =	vbroadcast v16, $0x4;
	v11 =	vld.idx.msk [tilespmem:v11+s15+$0x0], $0xffff;
	v7 =	vadd.f32 v10, v7;
	v10 =	vmul.f32 v13, v3  }
0x58: {  	v6 =	vbroadcast v16, $0x5;
	v9 =	vld.idx.msk [tilespmem:v9+s15+$0x0], $0xffff;
	v13 =	vor.u32 $0xA, v28  }
0x59: {  	v23 =	vld.idx.msk [tilespmem:v15+s14+$0x0], $0xffff;
	v8 =	vmul.f32 v8, v4;
	v10 =	vadd.f32 v10, v7  }
0x5a: {  	v15 =	vld.idx.msk [tilespmem:v15+s15+$0x0], $0xffff;
	v12 =	vmul.f32 v12, v6;
	v7 =	vbroadcast v16, $0x6  }
0x5b: {  	v18 =	vmul.f32 v19, v18;
	v19 =	vor.u32 $0xC, v28;
	v21 =	vld.idx.msk [tilespmem:v17+s14+$0x0], $0xffff;
	v10 =	vadd.f32 v8, v10  }
0x5c: {  	v11 =	vmul.f32 v11, v14;
	v14 =	vor.u32 $0xE, v28;
	v17 =	vld.idx.msk [tilespmem:v17+s15+$0x0], $0xffff;
	v8 =	vbroadcast v16, $0x7  }
0x5d: {  	v22 =	vld.idx.msk [tilespmem:v13+s14+$0x0], $0xffff;
	v10 =	vadd.f32 v12, v10;
	v12 =	vmul.f32 v18, v7;
	v18 =	vmul.f32 v9, v20  }
0x5e: {  	v13 =	vld.idx.msk [tilespmem:v13+s15+$0x0], $0xffff;
	v9 =	vbroadcast v16, $0x8  }
0x5f: {  	v32 =	vld [tilespmem:$0x8410];
	v20 =	vor.u32 $0xD, v28;
	v12 =	vadd.f32 v12, v10;
	v18 =	vmul.f32 v18, v8  }
0x60: {  	v15 =	vmul.f32 v15, v23;
	v23 =	vor.u32 $0x11, v28;
	v24 =	vld.idx.msk [tilespmem:v19+s14+$0x0], $0xffff;
	v10 =	vbroadcast v16, $0x9  }
0x61: {  	v19 =	vld.idx.msk [tilespmem:v19+s15+$0x0], $0xffff;
	v17 =	vmul.f32 v17, v21;
	v12 =	vadd.f32 v18, v12;
	v18 =	vmul.f32 v11, v9  }
0x62: {  	v26 =	vld.idx.msk [tilespmem:v14+s14+$0x0], $0xffff;
	v21 =	vor.u32 $0xF, v28;
	v11 =	vbroadcast v16, $0xA  }
0x63: {  	v27 =	vld.idx.msk [tilespmem:v14+s15+$0x0], $0xffff;
	v17 =	vmul.f32 v17, v10;
	v13 =	vmul.f32 v13, v22;
	v18 =	vadd.f32 v18, v12  }
0x64: {  	v22 =	vor.u32 $0x10, v28;
	v25 =	vld.idx.msk [tilespmem:v20+s14+$0x0], $0xffff  }
0x65: {  	v20 =	vld.idx.msk [tilespmem:v20+s15+$0x0], $0xffff;
	v12 =	vbroadcast v16, $0xB;
	v17 =	vadd.f32 v17, v18;
	v18 =	vmul.f32 v13, v11  }
0x66: {  	v30 =	vld.idx.msk [tilespmem:v23+s14+$0x0], $0xffff;
	v13 =	vbroadcast v16, $0xC  }
0x67: {  	v29 =	vld.idx.msk [tilespmem:v21+s14+$0x0], $0xffff;
	v15 =	vmul.f32 v15, v12;
	v17 =	vadd.f32 v18, v17;
	v18 =	vmul.f32 v19, v24  }
0x68: {  	v21 =	vld.idx.msk [tilespmem:v21+s15+$0x0], $0xffff;
	v19 =	vor.u32 $0x12, v28  }
0x69: {  	v23 =	vld.idx.msk [tilespmem:v23+s15+$0x0], $0xffff;
	v17 =	vadd.f32 v15, v17;
	v18 =	vmul.f32 v18, v13  }
0x6a: {  	v14 =	vbroadcast v16, $0xD;
	v24 =	vld.idx.msk [tilespmem:v22+s14+$0x0], $0xffff;
	v20 =	vmul.f32 v20, v25;
	v25 =	vor.u32 $0x13, v28  }
0x6b: {  	v22 =	vld.idx.msk [tilespmem:v22+s15+$0x0], $0xffff;
	v15 =	vbroadcast v16, $0xE;
	v17 =	vadd.f32 v18, v17  }
0x6c: {  	v18 =	vmul.f32 v20, v14;
	v20 =	vmul.f32 v27, v26;
	v26 =	vor.u32 $0x14, v28  }
0x6d: {  	v16 =	vbroadcast v16, $0xF;
	v21 =	vmul.f32 v21, v29;
	v27 =	vld.idx.msk [tilespmem:v19+s14+$0x0], $0xffff  }
0x6e: {  	v29 =	vor.u32 $0x15, v28;
	v31 =	vld.idx.msk [tilespmem:v19+s15+$0x0], $0xffff;
	v18 =	vadd.f32 v18, v17;
	v20 =	vmul.f32 v20, v15  }
0x6f: {  	v23 =	vmul.f32 v23, v30;
	v30 =	vor.u32 $0x17, v28;
	v33 =	vld.idx.msk [tilespmem:v25+s14+$0x0], $0xffff;
	v17 =	vbroadcast v32, $0x0  }
0x70: {  	v19 =	vadd.f32 v20, v18;
	v20 =	vmul.f32 v21, v16;
	v21 =	vmul.f32 v22, v24;
	v24 =	vld.idx.msk [tilespmem:v25+s15+$0x0], $0xffff  }
0x71: {  	v18 =	vbroadcast v32, $0x1;
	v22 =	vor.u32 $0x16, v28;
	v25 =	vld.idx.msk [tilespmem:v26+s14+$0x0], $0xffff  }
0x72: {  	v26 =	vld.idx.msk [tilespmem:v26+s15+$0x0], $0xffff;
	v20 =	vadd.f32 v20, v19;
	v21 =	vmul.f32 v21, v17  }
0x73: {  	v34 =	vld.idx.msk [tilespmem:v29+s14+$0x0], $0xffff;
	v19 =	vbroadcast v32, $0x2;
	v23 =	vmul.f32 v23, v18  }
0x74: {  	v29 =	vld.idx.msk [tilespmem:v29+s15+$0x0], $0xffff;
	v27 =	vmul.f32 v31, v27;
	v31 =	vor.u32 $0x18, v28;
	v21 =	vadd.f32 v21, v20  }
0x75: {  	v58 =	vor.u32 $0x19, v28;
	v37 =	vld.idx.msk [tilespmem:v30+s14+$0x0], $0xffff;
	v20 =	vbroadcast v32, $0x3  }
0x76: {  	v27 =	vmul.f32 v27, v19;
	v35 =	vld.idx.msk [tilespmem:v22+s14+$0x0], $0xffff;
	v24 =	vmul.f32 v24, v33;
	v23 =	vadd.f32 v23, v21  }
0x77: {  	v36 =	vld.idx.msk [tilespmem:v22+s15+$0x0], $0xffff;
	v21 =	vbroadcast v32, $0x4;
	v25 =	vmul.f32 v26, v25  }
0x78: {  	v26 =	vor.u32 $0x1A, v28;
	v24 =	vmul.f32 v24, v20;
	v23 =	vadd.f32 v27, v23;
	v27 =	vld.idx.msk [tilespmem:v30+s15+$0x0], $0xffff  }
0x79: {  	v29 =	vmul.f32 v29, v34;
	v22 =	vbroadcast v32, $0x5;
	v30 =	vld.idx.msk [tilespmem:v31+s14+$0x0], $0xffff  }
0x7a: {  	v59 =	vor.u32 $0x1B, v28;
	v25 =	vmul.f32 v25, v21;
	v31 =	vld.idx.msk [tilespmem:v31+s15+$0x0], $0xffff;
	v24 =	vadd.f32 v24, v23  }
0x7b: {  	v60 =	vor.u32 $0x1C, v28;
	v38 =	vld.idx.msk [tilespmem:v58+s14+$0x0], $0xffff;
	v29 =	vmul.f32 v29, v22  }
0x7c: {  	v33 =	vld.idx.msk [tilespmem:v58+s15+$0x0], $0xffff;
	v23 =	vbroadcast v32, $0x6;
	v35 =	vmul.f32 v36, v35;
	v25 =	vadd.f32 v25, v24  }
0x7d: {  	v61 =	vor.u32 $0x1D, v28;
	v39 =	vld.idx.msk [tilespmem:v26+s14+$0x0], $0xffff;
	v24 =	vbroadcast v32, $0x7  }
0x7e: {  	v40 =	vld.idx.msk [tilespmem:v26+s15+$0x0], $0xffff;
	v35 =	vmul.f32 v35, v23;
	v27 =	vmul.f32 v27, v37;
	v29 =	vadd.f32 v29, v25  }
0x7f: {  	v41 =	vld.idx.msk [tilespmem:v59+s14+$0x0], $0xffff;
	v30 =	vmul.f32 v31, v30;
	v31 =	vor.u32 $0x1E, v28  }
0x80: {  	v34 =	vld.idx.msk [tilespmem:v59+s15+$0x0], $0xffff;
	v25 =	vbroadcast v32, $0x8;
	v27 =	vmul.f32 v27, v24;
	v29 =	vadd.f32 v35, v29  }
0x81: {  	v63 =	vor.u32 $0x1F, v28;
	v62 =	vld.idx.msk [tilespmem:v60+s14+$0x0], $0xffff;
	v33 =	vmul.f32 v33, v38  }
0x82: {  	v42 =	vld.idx.msk [tilespmem:v61+s14+$0x0], $0xffff;
	v26 =	vbroadcast v32, $0x9;
	v30 =	vmul.f32 v30, v25;
	v29 =	vadd.f32 v27, v29  }
0x83: {  	v36 =	vld.idx.msk [tilespmem:v60+s15+$0x0], $0xffff;
	v44 =	vmul.f32 v40, v39  }
0x84: {  	v37 =	vld.idx.msk [tilespmem:v61+s15+$0x0], $0xffff;
	v27 =	vbroadcast v32, $0xA;
	v29 =	vadd.f32 v30, v29;
	v30 =	vmul.f32 v33, v26  }
0x85: {  	v34 =	vmul.f32 v34, v41;
	v28 =	vbroadcast v32, $0xB;
	v45 =	vld.idx.msk [tilespmem:v31+s14+$0x0], $0xffff  }
0x86: {  	v46 =	vld.idx.msk [tilespmem:v31+s15+$0x0], $0xffff;
	v33 =	vmul.f32 v44, v27;
	v30 =	vadd.f32 v30, v29  }
0x87: {  	v47 =	vld.idx.msk [tilespmem:v63+s14+$0x0], $0xffff;
	v48 =	vmul.f32 v34, v28  }
0x88: {  	v50 =	vld.idx.msk [tilespmem:v63+s15+$0x0], $0xffff;
	v49 =	vmul.f32 v36, v62;
	v29 =	vbroadcast v32, $0xC;
	v31 =	vadd.f32 v33, v30  }
0x89: {  	v51 =	vmul.f32 v37, v42  }
0x8a: {  	v30 =	vbroadcast v32, $0xD;
	v34 =	vmul.f32 v49, v29;
	v33 =	vadd.f32 v48, v31  }
0x8b: {  	v53 =	vmul.f32 v46, v45  }
0x8c: {  	v31 =	vbroadcast v32, $0xE;
	v52 =	vmul.f32 v51, v30;
	v33 =	vadd.f32 v34, v33  }
0x8d: {  	v35 =	vmul.f32 v50, v47  }
0x8e: {  	v32 =	vbroadcast v32, $0xF;
	v54 =	vmul.f32 v53, v31;
	v33 =	vadd.f32 v52, v33;
	_ =	sdelay $0x1  }
0x8f: {  	v55 =	vmul.f32 v35, v32;
	v33 =	vadd.f32 v54, v33;
	_ =	sdelay $0x1  }
0x90: {  	v33 =	vadd.f32 v55, v33;
	_ =	sdelay $0x1  }
0x91: {  	v33 =	vsub.f32 $0.0e+00, v33;
	_ =	sdelay $0x1  }
0x92: {  	v33 =	vmul.f32 $1.442695020e+00, v33;
	_ =	sdelay $0x1  }
0x93: {  	(erf) = vpow2.f32 v33;
	_ =	sdelay $0x8  }
0x94: {  	v33 =	vpop (erf)  }
0x95: {  	v33 =	vadd.f32 $1.000000000e+00, v33;
	_ =	sdelay $0x1  }
0x96: {  	(erf) = vrcp.f32 v33;
	_ =	sdelay $0x2  }
0x97: {  	s0 =	simm.s32 $0x10  }
0x98: {  	v56 =	vmov s0  }
0x99: {  	v33 =	vshll.u32 v56, $0x5  }
0x9a: {  	v33 =	vor.u32 v0, v33;
	_ =	sdelay $0x1  }
0x9b: {  	v57 =	vor.u32 $0x1, v33  }
0x9c: {  	v58 =	vpop (erf)  }
0x9d: {  	v59 =	vor.u32 $0x2, v33;
	[tilespmem:s29+$0x0] =	vst v58  }
0x9e: {  	v35 =	vld.idx.msk [tilespmem:v33+s15+$0x0], $0xffff  }
0x9f: {  	v61 =	vor.u32 $0x3, v33;
	v60 =	vld.idx.msk [tilespmem:v33+s14+$0x0], $0xffff  }
0xa0: {  	v62 =	vld.idx.msk [tilespmem:v57+s14+$0x0], $0xffff  }
0xa1: {  	v63 =	vor.u32 $0x4, v33;
	v34 =	vld.idx.msk [tilespmem:v57+s15+$0x0], $0xffff  }
0xa2: {  	v48 =	vld.idx.msk [tilespmem:v59+s14+$0x0], $0xffff  }
0xa3: {  	v49 =	vor.u32 $0x5, v33;
	v36 =	vld.idx.msk [tilespmem:v59+s15+$0x0], $0xffff  }
0xa4: {  	v43 =	vld.idx.msk [tilespmem:v61+s14+$0x0], $0xffff;
	v35 =	vmul.f32 v35, v60  }
0xa5: {  	v51 =	vor.u32 $0x6, v33;
	v50 =	vld.idx.msk [tilespmem:v61+s15+$0x0], $0xffff  }
0xa6: {  	v44 =	vld.idx.msk [tilespmem:v63+s14+$0x0], $0xffff;
	v34 =	vmul.f32 v34, v62;
	v35 =	vmul.f32 v35, v5  }
0xa7: {  	v53 =	vor.u32 $0x7, v33;
	v52 =	vld.idx.msk [tilespmem:v63+s15+$0x0], $0xffff  }
0xa8: {  	v45 =	vld.idx.msk [tilespmem:v49+s14+$0x0], $0xffff;
	v36 =	vmul.f32 v36, v48;
	v34 =	vmul.f32 v34, v1;
	v35 =	vadd.f32 $0.0e+00, v35  }
0xa9: {  	v54 =	vor.u32 $0x8, v33;
	v42 =	vld.idx.msk [tilespmem:v49+s15+$0x0], $0xffff  }
0xaa: {  	v46 =	vld.idx.msk [tilespmem:v51+s14+$0x0], $0xffff;
	v56 =	vmul.f32 v50, v43;
	v55 =	vmul.f32 v36, v2;
	v34 =	vadd.f32 v34, v35  }
0xab: {  	v57 =	vor.u32 $0x9, v33;
	v38 =	vld.idx.msk [tilespmem:v51+s15+$0x0], $0xffff  }
0xac: {  	v58 =	vld.idx.msk [tilespmem:v53+s14+$0x0], $0xffff;
	v60 =	vmul.f32 v52, v44;
	v59 =	vmul.f32 v56, v3;
	v34 =	vadd.f32 v55, v34  }
0xad: {  	v61 =	vor.u32 $0xA, v33;
	v40 =	vld.idx.msk [tilespmem:v53+s15+$0x0], $0xffff  }
0xae: {  	v41 =	vld.idx.msk [tilespmem:v54+s15+$0x0], $0xffff;
	v48 =	vmul.f32 v42, v45;
	v63 =	vmul.f32 v60, v4;
	v34 =	vadd.f32 v59, v34  }
0xaf: {  	v49 =	vor.u32 $0xB, v33;
	v62 =	vld.idx.msk [tilespmem:v54+s14+$0x0], $0xffff  }
0xb0: {  	v50 =	vld.idx.msk [tilespmem:v57+s14+$0x0], $0xffff;
	v52 =	vmul.f32 v38, v46;
	v51 =	vmul.f32 v48, v6;
	v34 =	vadd.f32 v63, v34  }
0xb1: {  	v53 =	vor.u32 $0xC, v33;
	v37 =	vld.idx.msk [tilespmem:v57+s15+$0x0], $0xffff  }
0xb2: {  	v54 =	vld.idx.msk [tilespmem:v61+s14+$0x0], $0xffff;
	v56 =	vmul.f32 v40, v58;
	v55 =	vmul.f32 v52, v7;
	v34 =	vadd.f32 v51, v34  }
0xb3: {  	v57 =	vor.u32 $0xD, v33;
	v39 =	vld.idx.msk [tilespmem:v61+s15+$0x0], $0xffff  }
0xb4: {  	v42 =	vld.idx.msk [tilespmem:v49+s15+$0x0], $0xffff;
	v60 =	vmul.f32 v41, v62;
	v59 =	vmul.f32 v56, v8;
	v34 =	vadd.f32 v55, v34  }
0xb5: {  	v61 =	vor.u32 $0xE, v33;
	v58 =	vld.idx.msk [tilespmem:v49+s14+$0x0], $0xffff  }
0xb6: {  	v38 =	vld.idx.msk [tilespmem:v53+s15+$0x0], $0xffff;
	v48 =	vmul.f32 v37, v50;
	v63 =	vmul.f32 v60, v9;
	v34 =	vadd.f32 v59, v34  }
0xb7: {  	v49 =	vor.u32 $0xF, v33;
	v62 =	vld.idx.msk [tilespmem:v53+s14+$0x0], $0xffff  }
0xb8: {  	v50 =	vld.idx.msk [tilespmem:v57+s14+$0x0], $0xffff;
	v52 =	vmul.f32 v39, v54;
	v51 =	vmul.f32 v48, v10;
	v34 =	vadd.f32 v63, v34  }
0xb9: {  	v53 =	vor.u32 $0x10, v33;
	v40 =	vld.idx.msk [tilespmem:v57+s15+$0x0], $0xffff  }
0xba: {  	v41 =	vld.idx.msk [tilespmem:v61+s15+$0x0], $0xffff;
	v56 =	vmul.f32 v42, v58;
	v55 =	vmul.f32 v52, v11;
	v34 =	vadd.f32 v51, v34  }
0xbb: {  	v57 =	vor.u32 $0x11, v33;
	v54 =	vld.idx.msk [tilespmem:v61+s14+$0x0], $0xffff  }
0xbc: {  	v37 =	vld.idx.msk [tilespmem:v49+s15+$0x0], $0xffff;
	v60 =	vmul.f32 v38, v62;
	v59 =	vmul.f32 v56, v12;
	v34 =	vadd.f32 v55, v34  }
0xbd: {  	v61 =	vor.u32 $0x12, v33;
	v58 =	vld.idx.msk [tilespmem:v49+s14+$0x0], $0xffff  }
0xbe: {  	v39 =	vld.idx.msk [tilespmem:v53+s15+$0x0], $0xffff;
	v48 =	vmul.f32 v40, v50;
	v63 =	vmul.f32 v60, v13;
	v34 =	vadd.f32 v59, v34  }
0xbf: {  	v49 =	vor.u32 $0x13, v33;
	v62 =	vld.idx.msk [tilespmem:v53+s14+$0x0], $0xffff  }
0xc0: {  	v42 =	vld.idx.msk [tilespmem:v57+s15+$0x0], $0xffff;
	v52 =	vmul.f32 v41, v54;
	v51 =	vmul.f32 v48, v14;
	v34 =	vadd.f32 v63, v34  }
0xc1: {  	v53 =	vor.u32 $0x14, v33;
	v50 =	vld.idx.msk [tilespmem:v57+s14+$0x0], $0xffff  }
0xc2: {  	v38 =	vld.idx.msk [tilespmem:v61+s15+$0x0], $0xffff;
	v56 =	vmul.f32 v37, v58;
	v55 =	vmul.f32 v52, v15;
	v34 =	vadd.f32 v51, v34  }
0xc3: {  	v57 =	vor.u32 $0x15, v33;
	v54 =	vld.idx.msk [tilespmem:v61+s14+$0x0], $0xffff  }
0xc4: {  	v40 =	vld.idx.msk [tilespmem:v49+s15+$0x0], $0xffff;
	v60 =	vmul.f32 v39, v62;
	v59 =	vmul.f32 v56, v16;
	v34 =	vadd.f32 v55, v34  }
0xc5: {  	v61 =	vor.u32 $0x16, v33;
	v58 =	vld.idx.msk [tilespmem:v49+s14+$0x0], $0xffff  }
0xc6: {  	v41 =	vld.idx.msk [tilespmem:v53+s15+$0x0], $0xffff;
	v48 =	vmul.f32 v42, v50;
	v63 =	vmul.f32 v60, v17;
	v34 =	vadd.f32 v59, v34  }
0xc7: {  	v49 =	vor.u32 $0x17, v33;
	v62 =	vld.idx.msk [tilespmem:v53+s14+$0x0], $0xffff  }
0xc8: {  	v37 =	vld.idx.msk [tilespmem:v57+s15+$0x0], $0xffff;
	v52 =	vmul.f32 v38, v54;
	v51 =	vmul.f32 v48, v18;
	v34 =	vadd.f32 v63, v34  }
0xc9: {  	v53 =	vor.u32 $0x18, v33;
	v50 =	vld.idx.msk [tilespmem:v57+s14+$0x0], $0xffff  }
0xca: {  	v39 =	vld.idx.msk [tilespmem:v61+s15+$0x0], $0xffff;
	v56 =	vmul.f32 v40, v58;
	v55 =	vmul.f32 v52, v19;
	v34 =	vadd.f32 v51, v34  }
0xcb: {  	v57 =	vor.u32 $0x19, v33;
	v54 =	vld.idx.msk [tilespmem:v61+s14+$0x0], $0xffff  }
0xcc: {  	v42 =	vld.idx.msk [tilespmem:v49+s15+$0x0], $0xffff;
	v60 =	vmul.f32 v41, v62;
	v59 =	vmul.f32 v56, v20;
	v34 =	vadd.f32 v55, v34  }
0xcd: {  	v61 =	vor.u32 $0x1A, v33;
	v58 =	vld.idx.msk [tilespmem:v49+s14+$0x0], $0xffff  }
0xce: {  	v38 =	vld.idx.msk [tilespmem:v53+s15+$0x0], $0xffff;
	v48 =	vmul.f32 v37, v50;
	v63 =	vmul.f32 v60, v21;
	v34 =	vadd.f32 v59, v34  }
0xcf: {  	v49 =	vor.u32 $0x1B, v33;
	v62 =	vld.idx.msk [tilespmem:v53+s14+$0x0], $0xffff  }
0xd0: {  	v40 =	vld.idx.msk [tilespmem:v57+s15+$0x0], $0xffff;
	v52 =	vmul.f32 v39, v54;
	v51 =	vmul.f32 v48, v22;
	v34 =	vadd.f32 v63, v34  }
0xd1: {  	v53 =	vor.u32 $0x1C, v33;
	v50 =	vld.idx.msk [tilespmem:v57+s14+$0x0], $0xffff  }
0xd2: {  	v41 =	vld.idx.msk [tilespmem:v61+s15+$0x0], $0xffff;
	v56 =	vmul.f32 v42, v58;
	v55 =	vmul.f32 v52, v23;
	v34 =	vadd.f32 v51, v34  }
0xd3: {  	v57 =	vor.u32 $0x1D, v33;
	v54 =	vld.idx.msk [tilespmem:v61+s14+$0x0], $0xffff  }
0xd4: {  	v37 =	vld.idx.msk [tilespmem:v49+s15+$0x0], $0xffff;
	v60 =	vmul.f32 v38, v62;
	v59 =	vmul.f32 v56, v24;
	v34 =	vadd.f32 v55, v34  }
0xd5: {  	v61 =	vor.u32 $0x1E, v33;
	v58 =	vld.idx.msk [tilespmem:v49+s14+$0x0], $0xffff  }
0xd6: {  	v39 =	vld.idx.msk [tilespmem:v53+s15+$0x0], $0xffff;
	v45 =	vmul.f32 v40, v50;
	v63 =	vmul.f32 v60, v25;
	v34 =	vadd.f32 v59, v34  }
0xd7: {  	v33 =	vor.u32 $0x1F, v33;
	v62 =	vld.idx.msk [tilespmem:v53+s14+$0x0], $0xffff  }
0xd8: {  	v47 =	vld.idx.msk [tilespmem:v57+s14+$0x0], $0xffff;
	v49 =	vmul.f32 v41, v54;
	v48 =	vmul.f32 v45, v26;
	v34 =	vadd.f32 v63, v34  }
0xd9: {  	v50 =	vld.idx.msk [tilespmem:v57+s15+$0x0], $0xffff  }
0xda: {  	v54 =	vld.idx.msk [tilespmem:v61+s15+$0x0], $0xffff;
	v53 =	vmul.f32 v37, v58;
	v52 =	vmul.f32 v49, v27;
	v34 =	vadd.f32 v48, v34  }
0xdb: {  	v51 =	vld.idx.msk [tilespmem:v61+s14+$0x0], $0xffff  }
0xdc: {  	v57 =	vmul.f32 v39, v62;
	v56 =	vmul.f32 v53, v28;
	v55 =	vld.idx.msk [tilespmem:v33+s14+$0x0], $0xffff;
	v34 =	vadd.f32 v52, v34  }
0xdd: {  	v33 =	vld.idx.msk [tilespmem:v33+s15+$0x0], $0xffff  }
0xde: {  	v58 =	vmul.f32 v57, v29;
	v59 =	vmul.f32 v50, v47;
	v34 =	vadd.f32 v56, v34;
	_ =	sdelay $0x1  }
0xdf: {  	v61 =	vmul.f32 v54, v51;
	v60 =	vmul.f32 v59, v30;
	v34 =	vadd.f32 v58, v34;
	_ =	sdelay $0x1  }
0xe0: {  	v62 =	vmul.f32 v61, v31;
	v33 =	vmul.f32 v33, v55;
	v34 =	vadd.f32 v60, v34;
	_ =	sdelay $0x1  }
0xe1: {  	v33 =	vmul.f32 v33, v32;
	v34 =	vadd.f32 v62, v34;
	_ =	sdelay $0x1  }
0xe2: {  	v33 =	vadd.f32 v33, v34;
	_ =	sdelay $0x1  }
0xe3: {  	v33 =	vsub.f32 $0.0e+00, v33;
	_ =	sdelay $0x1  }
0xe4: {  	v33 =	vmul.f32 $1.442695020e+00, v33;
	_ =	sdelay $0x1  }
0xe5: {  	(erf) = vpow2.f32 v33;
	_ =	sdelay $0x8  }
0xe6: {  	v33 =	vpop (erf)  }
0xe7: {  	v33 =	vadd.f32 $1.000000000e+00, v33;
	_ =	sdelay $0x1  }
0xe8: {  	(erf) = vrcp.f32 v33;
	_ =	sdelay $0x2  }
0xe9: {  	s0 =	simm.s32 $0x20  }
0xea: {  	v63 =	vmov s0  }
0xeb: {  	s31 =	simm.s32 $0x8420;
	s0 =	simm.s32 $0x30;
	v33 =	vshll.u32 v63, $0x5  }
.LBB2_2:
0xec: {  	p0 =	sne.s32 s0, $0x1F0;
	v33 =	vor.u32 v0, v33;
	_ =	sdelay $0x1  }
0xed: {  	v34 =	vor.u32 $0x1, v33  }
0xee: {  	s31 =	sadd.s32 $0x10, s31;
	v35 =	vpop (erf)  }
0xef: {  	v36 =	vor.u32 $0x2, v33;
	[tilespmem:s31+$0x0] =	vst v35  }
0xf0: {  	v35 =	vld.idx.msk [tilespmem:v33+s15+$0x0], $0xffff  }
0xf1: {  	v38 =	vor.u32 $0x3, v33;
	v37 =	vld.idx.msk [tilespmem:v33+s14+$0x0], $0xffff  }
0xf2: {  	v39 =	vld.idx.msk [tilespmem:v34+s14+$0x0], $0xffff  }
0xf3: {  	v40 =	vor.u32 $0x4, v33;
	v34 =	vld.idx.msk [tilespmem:v34+s15+$0x0], $0xffff  }
0xf4: {  	v41 =	vld.idx.msk [tilespmem:v36+s14+$0x0], $0xffff  }
0xf5: {  	v42 =	vor.u32 $0x5, v33;
	v36 =	vld.idx.msk [tilespmem:v36+s15+$0x0], $0xffff  }
0xf6: {  	v43 =	vld.idx.msk [tilespmem:v38+s14+$0x0], $0xffff  }
0xf7: {  	v35 =	vmul.f32 v35, v37;
	v37 =	vld.idx.msk [tilespmem:v38+s15+$0x0], $0xffff;
	v38 =	vor.u32 $0x6, v33  }
0xf8: {  	v44 =	vld.idx.msk [tilespmem:v40+s14+$0x0], $0xffff  }
0xf9: {  	v35 =	vmul.f32 v35, v5;
	v34 =	vmul.f32 v34, v39;
	v39 =	vld.idx.msk [tilespmem:v40+s15+$0x0], $0xffff;
	v40 =	vor.u32 $0x7, v33  }
0xfa: {  	v46 =	vor.u32 $0x8, v33;
	v45 =	vld.idx.msk [tilespmem:v42+s14+$0x0], $0xffff  }
0xfb: {  	v35 =	vadd.f32 $0.0e+00, v35;
	v34 =	vmul.f32 v34, v1;
	v36 =	vmul.f32 v36, v41;
	v41 =	vld.idx.msk [tilespmem:v42+s15+$0x0], $0xffff  }
0xfc: {  	v47 =	vor.u32 $0x9, v33;
	v42 =	vld.idx.msk [tilespmem:v38+s14+$0x0], $0xffff  }
0xfd: {  	v34 =	vadd.f32 v34, v35;
	v35 =	vmul.f32 v36, v2;
	v36 =	vmul.f32 v37, v43;
	v37 =	vld.idx.msk [tilespmem:v38+s15+$0x0], $0xffff  }
0xfe: {  	v43 =	vor.u32 $0xA, v33;
	v38 =	vld.idx.msk [tilespmem:v40+s14+$0x0], $0xffff  }
0xff: {  	v34 =	vadd.f32 v35, v34;
	v35 =	vmul.f32 v36, v3;
	v36 =	vmul.f32 v39, v44;
	v39 =	vld.idx.msk [tilespmem:v40+s15+$0x0], $0xffff  }
0x100: {  	v44 =	vor.u32 $0xB, v33;
	v40 =	vld.idx.msk [tilespmem:v46+s14+$0x0], $0xffff  }
0x101: {  	v34 =	vadd.f32 v35, v34;
	v35 =	vmul.f32 v36, v4;
	v36 =	vmul.f32 v41, v45;
	v41 =	vld.idx.msk [tilespmem:v46+s15+$0x0], $0xffff  }
0x102: {  	v46 =	vor.u32 $0xC, v33;
	v45 =	vld.idx.msk [tilespmem:v47+s14+$0x0], $0xffff  }
0x103: {  	v34 =	vadd.f32 v35, v34;
	v35 =	vmul.f32 v36, v6;
	v36 =	vmul.f32 v37, v42;
	v37 =	vld.idx.msk [tilespmem:v47+s15+$0x0], $0xffff  }
0x104: {  	v47 =	vor.u32 $0xD, v33;
	v42 =	vld.idx.msk [tilespmem:v43+s14+$0x0], $0xffff  }
0x105: {  	v34 =	vadd.f32 v35, v34;
	v35 =	vmul.f32 v36, v7;
	v36 =	vmul.f32 v39, v38;
	v38 =	vld.idx.msk [tilespmem:v43+s15+$0x0], $0xffff  }
0x106: {  	v43 =	vor.u32 $0xE, v33;
	v39 =	vld.idx.msk [tilespmem:v44+s14+$0x0], $0xffff  }
0x107: {  	v34 =	vadd.f32 v35, v34;
	v35 =	vmul.f32 v36, v8;
	v36 =	vmul.f32 v41, v40;
	v40 =	vld.idx.msk [tilespmem:v44+s15+$0x0], $0xffff  }
0x108: {  	v44 =	vor.u32 $0xF, v33;
	v41 =	vld.idx.msk [tilespmem:v46+s14+$0x0], $0xffff  }
0x109: {  	v34 =	vadd.f32 v35, v34;
	v35 =	vmul.f32 v36, v9;
	v36 =	vmul.f32 v37, v45;
	v37 =	vld.idx.msk [tilespmem:v46+s15+$0x0], $0xffff  }
0x10a: {  	v46 =	vor.u32 $0x10, v33;
	v45 =	vld.idx.msk [tilespmem:v47+s14+$0x0], $0xffff  }
0x10b: {  	v34 =	vadd.f32 v35, v34;
	v35 =	vmul.f32 v36, v10;
	v36 =	vmul.f32 v38, v42;
	v38 =	vld.idx.msk [tilespmem:v47+s15+$0x0], $0xffff  }
0x10c: {  	v47 =	vor.u32 $0x11, v33;
	v42 =	vld.idx.msk [tilespmem:v43+s14+$0x0], $0xffff  }
0x10d: {  	v34 =	vadd.f32 v35, v34;
	v35 =	vmul.f32 v36, v11;
	v36 =	vmul.f32 v40, v39;
	v39 =	vld.idx.msk [tilespmem:v43+s15+$0x0], $0xffff  }
0x10e: {  	v43 =	vor.u32 $0x12, v33;
	v40 =	vld.idx.msk [tilespmem:v44+s14+$0x0], $0xffff  }
0x10f: {  	v34 =	vadd.f32 v35, v34;
	v35 =	vmul.f32 v36, v12;
	v36 =	vmul.f32 v37, v41;
	v37 =	vld.idx.msk [tilespmem:v44+s15+$0x0], $0xffff  }
0x110: {  	v44 =	vor.u32 $0x13, v33;
	v41 =	vld.idx.msk [tilespmem:v46+s14+$0x0], $0xffff  }
0x111: {  	v34 =	vadd.f32 v35, v34;
	v35 =	vmul.f32 v36, v13;
	v36 =	vmul.f32 v38, v45;
	v38 =	vld.idx.msk [tilespmem:v46+s15+$0x0], $0xffff  }
0x112: {  	v46 =	vor.u32 $0x14, v33;
	v45 =	vld.idx.msk [tilespmem:v47+s14+$0x0], $0xffff  }
0x113: {  	v34 =	vadd.f32 v35, v34;
	v35 =	vmul.f32 v36, v14;
	v36 =	vmul.f32 v39, v42;
	v39 =	vld.idx.msk [tilespmem:v47+s15+$0x0], $0xffff  }
0x114: {  	v47 =	vor.u32 $0x15, v33;
	v42 =	vld.idx.msk [tilespmem:v43+s14+$0x0], $0xffff  }
0x115: {  	v34 =	vadd.f32 v35, v34;
	v35 =	vmul.f32 v36, v15;
	v36 =	vmul.f32 v37, v40;
	v37 =	vld.idx.msk [tilespmem:v43+s15+$0x0], $0xffff  }
0x116: {  	v43 =	vor.u32 $0x16, v33;
	v40 =	vld.idx.msk [tilespmem:v44+s14+$0x0], $0xffff  }
0x117: {  	v34 =	vadd.f32 v35, v34;
	v35 =	vmul.f32 v36, v16;
	v36 =	vmul.f32 v38, v41;
	v38 =	vld.idx.msk [tilespmem:v44+s15+$0x0], $0xffff  }
0x118: {  	v44 =	vor.u32 $0x17, v33;
	v41 =	vld.idx.msk [tilespmem:v46+s14+$0x0], $0xffff  }
0x119: {  	v34 =	vadd.f32 v35, v34;
	v35 =	vmul.f32 v36, v17;
	v36 =	vmul.f32 v39, v45;
	v39 =	vld.idx.msk [tilespmem:v46+s15+$0x0], $0xffff  }
0x11a: {  	v46 =	vor.u32 $0x18, v33;
	v45 =	vld.idx.msk [tilespmem:v47+s14+$0x0], $0xffff  }
0x11b: {  	v34 =	vadd.f32 v35, v34;
	v35 =	vmul.f32 v36, v18;
	v36 =	vmul.f32 v37, v42;
	v37 =	vld.idx.msk [tilespmem:v47+s15+$0x0], $0xffff  }
0x11c: {  	v47 =	vor.u32 $0x19, v33;
	v42 =	vld.idx.msk [tilespmem:v43+s14+$0x0], $0xffff  }
0x11d: {  	v34 =	vadd.f32 v35, v34;
	v35 =	vmul.f32 v36, v19;
	v36 =	vmul.f32 v38, v40;
	v38 =	vld.idx.msk [tilespmem:v43+s15+$0x0], $0xffff  }
0x11e: {  	v43 =	vor.u32 $0x1A, v33;
	v40 =	vld.idx.msk [tilespmem:v44+s14+$0x0], $0xffff  }
0x11f: {  	v34 =	vadd.f32 v35, v34;
	v35 =	vmul.f32 v36, v20;
	v36 =	vmul.f32 v39, v41;
	v39 =	vld.idx.msk [tilespmem:v44+s15+$0x0], $0xffff  }
0x120: {  	v44 =	vor.u32 $0x1B, v33;
	v41 =	vld.idx.msk [tilespmem:v46+s14+$0x0], $0xffff  }
0x121: {  	v34 =	vadd.f32 v35, v34;
	v35 =	vmul.f32 v36, v21;
	v36 =	vmul.f32 v37, v45;
	v37 =	vld.idx.msk [tilespmem:v46+s15+$0x0], $0xffff  }
0x122: {  	v46 =	vor.u32 $0x1C, v33;
	v45 =	vld.idx.msk [tilespmem:v47+s14+$0x0], $0xffff  }
0x123: {  	v34 =	vadd.f32 v35, v34;
	v35 =	vmul.f32 v36, v22;
	v36 =	vmul.f32 v38, v42;
	v38 =	vld.idx.msk [tilespmem:v47+s15+$0x0], $0xffff  }
0x124: {  	v47 =	vor.u32 $0x1D, v33;
	v42 =	vld.idx.msk [tilespmem:v43+s14+$0x0], $0xffff  }
0x125: {  	v34 =	vadd.f32 v35, v34;
	v35 =	vmul.f32 v36, v23;
	v36 =	vmul.f32 v39, v40;
	v39 =	vld.idx.msk [tilespmem:v43+s15+$0x0], $0xffff  }
0x126: {  	v43 =	vor.u32 $0x1E, v33;
	v40 =	vld.idx.msk [tilespmem:v44+s14+$0x0], $0xffff  }
0x127: {  	v34 =	vadd.f32 v35, v34;
	v35 =	vmul.f32 v36, v24;
	v36 =	vmul.f32 v37, v41;
	v37 =	vld.idx.msk [tilespmem:v44+s15+$0x0], $0xffff  }
0x128: {  	v33 =	vor.u32 $0x1F, v33;
	v41 =	vld.idx.msk [tilespmem:v46+s14+$0x0], $0xffff  }
0x129: {  	v34 =	vadd.f32 v35, v34;
	v35 =	vmul.f32 v36, v25;
	v36 =	vmul.f32 v38, v45;
	v38 =	vld.idx.msk [tilespmem:v46+s15+$0x0], $0xffff  }
0x12a: {  	v44 =	vld.idx.msk [tilespmem:v47+s14+$0x0], $0xffff  }
0x12b: {  	v34 =	vadd.f32 v35, v34;
	v35 =	vmul.f32 v36, v26;
	v36 =	vmul.f32 v39, v42;
	v39 =	vld.idx.msk [tilespmem:v47+s15+$0x0], $0xffff  }
0x12c: {  	v42 =	vld.idx.msk [tilespmem:v43+s14+$0x0], $0xffff  }
0x12d: {  	v34 =	vadd.f32 v35, v34;
	v35 =	vmul.f32 v36, v27;
	v36 =	vmul.f32 v37, v40;
	v37 =	vld.idx.msk [tilespmem:v43+s15+$0x0], $0xffff  }
0x12e: {  	v40 =	vld.idx.msk [tilespmem:v33+s14+$0x0], $0xffff  }
0x12f: {  	v34 =	vadd.f32 v35, v34;
	v35 =	vmul.f32 v36, v28;
	v36 =	vmul.f32 v38, v41;
	v33 =	vld.idx.msk [tilespmem:v33+s15+$0x0], $0xffff;
	_ =	sdelay $0x1  }
0x130: {  	v34 =	vadd.f32 v35, v34;
	v35 =	vmul.f32 v36, v29;
	v36 =	vmul.f32 v39, v44;
	_ =	sdelay $0x1  }
0x131: {  	v34 =	vadd.f32 v35, v34;
	v35 =	vmul.f32 v36, v30;
	v36 =	vmul.f32 v37, v42;
	_ =	sdelay $0x1  }
0x132: {  	v34 =	vadd.f32 v35, v34;
	v35 =	vmul.f32 v36, v31;
	v33 =	vmul.f32 v33, v40;
	_ =	sdelay $0x1  }
0x133: {  	v34 =	vadd.f32 v35, v34;
	v33 =	vmul.f32 v33, v32;
	_ =	sdelay $0x1  }
0x134: {  	v33 =	vadd.f32 v33, v34;
	_ =	sdelay $0x1  }
0x135: {  	v33 =	vsub.f32 $0.0e+00, v33;
	_ =	sdelay $0x1  }
0x136: {  	v33 =	vmul.f32 $1.442695020e+00, v33;
	_ =	sdelay $0x1  }
0x137: {  	(erf) = vpow2.f32 v33;
	_ =	sdelay $0x8  }
0x138: {  	v33 =	vpop (erf)  }
0x139: {  	v33 =	vadd.f32 $1.000000000e+00, v33;
	_ =	sdelay $0x1  }
0x13a: {  	(erf) = vrcp.f32 v33  }
.Ltmp0:
0x13b: {  	(pc) =	sbr.rel @p0 .LBB2_2-.Ltmp0, $3  }
0x13c: {  	_ =	sdelay $0x1  }
0x13d: {  	v33 =	vmov s0  }
0x13e: {  	s0 =	sadd.s32 $0x10, s0;
	v33 =	vshll.u32 v33, $0x5  }
0x13f: {  	v33 =	vor.u32 v0, v33;
	_ =	sdelay $0x1  }
0x140: {  	v34 =	vor.u32 $0x1, v33  }
0x141: {  	s0 =	sadd.s32 $0x10, s31;
	v35 =	vpop (erf)  }
0x142: {  	v36 =	vor.u32 $0x2, v33;
	[tilespmem:s0+$0x0] =	vst v35  }
0x143: {  	v35 =	vld.idx.msk [tilespmem:v33+s15+$0x0], $0xffff  }
0x144: {  	v38 =	vor.u32 $0x3, v33;
	v37 =	vld.idx.msk [tilespmem:v33+s14+$0x0], $0xffff  }
0x145: {  	v39 =	vld.idx.msk [tilespmem:v34+s14+$0x0], $0xffff  }
0x146: {  	v40 =	vor.u32 $0x4, v33;
	v34 =	vld.idx.msk [tilespmem:v34+s15+$0x0], $0xffff  }
0x147: {  	v41 =	vld.idx.msk [tilespmem:v36+s14+$0x0], $0xffff  }
0x148: {  	v42 =	vor.u32 $0x5, v33;
	v36 =	vld.idx.msk [tilespmem:v36+s15+$0x0], $0xffff  }
0x149: {  	v43 =	vld.idx.msk [tilespmem:v38+s14+$0x0], $0xffff;
	v35 =	vmul.f32 v35, v37  }
0x14a: {  	v52 =	vor.u32 $0x6, v33;
	v51 =	vld.idx.msk [tilespmem:v38+s15+$0x0], $0xffff  }
0x14b: {  	v44 =	vld.idx.msk [tilespmem:v40+s14+$0x0], $0xffff;
	v34 =	vmul.f32 v34, v39;
	v5 =	vmul.f32 v35, v5  }
0x14c: {  	v54 =	vor.u32 $0x7, v33;
	v53 =	vld.idx.msk [tilespmem:v40+s15+$0x0], $0xffff  }
0x14d: {  	v55 =	vld.idx.msk [tilespmem:v42+s14+$0x0], $0xffff;
	v56 =	vmul.f32 v36, v41;
	v1 =	vmul.f32 v34, v1;
	v5 =	vadd.f32 $0.0e+00, v5  }
0x14e: {  	v57 =	vor.u32 $0x8, v33;
	v58 =	vld.idx.msk [tilespmem:v42+s15+$0x0], $0xffff  }
0x14f: {  	v59 =	vld.idx.msk [tilespmem:v52+s14+$0x0], $0xffff;
	v60 =	vmul.f32 v51, v43;
	v2 =	vmul.f32 v56, v2;
	v1 =	vadd.f32 v1, v5  }
0x150: {  	v61 =	vor.u32 $0x9, v33;
	v62 =	vld.idx.msk [tilespmem:v52+s15+$0x0], $0xffff  }
0x151: {  	v63 =	vld.idx.msk [tilespmem:v54+s14+$0x0], $0xffff;
	v1 =	vadd.f32 v2, v1;
	v2 =	vmul.f32 v60, v3;
	v3 =	vmul.f32 v53, v44  }
0x152: {  	v45 =	vor.u32 $0xA, v33;
	v46 =	vld.idx.msk [tilespmem:v54+s15+$0x0], $0xffff  }
0x153: {  	v47 =	vld.idx.msk [tilespmem:v57+s14+$0x0], $0xffff;
	v1 =	vadd.f32 v2, v1;
	v2 =	vmul.f32 v3, v4;
	v3 =	vmul.f32 v58, v55  }
0x154: {  	v48 =	vor.u32 $0xB, v33;
	v36 =	vld.idx.msk [tilespmem:v57+s15+$0x0], $0xffff  }
0x155: {  	v49 =	vld.idx.msk [tilespmem:v61+s14+$0x0], $0xffff;
	v1 =	vadd.f32 v2, v1;
	v2 =	vmul.f32 v3, v6;
	v3 =	vmul.f32 v62, v59  }
0x156: {  	v50 =	vor.u32 $0xC, v33;
	v34 =	vld.idx.msk [tilespmem:v61+s15+$0x0], $0xffff  }
0x157: {  	v51 =	vld.idx.msk [tilespmem:v45+s14+$0x0], $0xffff;
	v1 =	vadd.f32 v2, v1;
	v2 =	vmul.f32 v3, v7;
	v3 =	vmul.f32 v46, v63  }
0x158: {  	v52 =	vor.u32 $0xD, v33;
	v5 =	vld.idx.msk [tilespmem:v45+s15+$0x0], $0xffff  }
0x159: {  	v53 =	vld.idx.msk [tilespmem:v48+s14+$0x0], $0xffff;
	v1 =	vadd.f32 v2, v1;
	v2 =	vmul.f32 v3, v8;
	v3 =	vmul.f32 v36, v47  }
0x15a: {  	v54 =	vor.u32 $0xE, v33;
	v4 =	vld.idx.msk [tilespmem:v48+s15+$0x0], $0xffff  }
0x15b: {  	v55 =	vld.idx.msk [tilespmem:v50+s14+$0x0], $0xffff;
	v1 =	vadd.f32 v2, v1;
	v2 =	vmul.f32 v3, v9;
	v3 =	vmul.f32 v34, v49  }
0x15c: {  	v56 =	vor.u32 $0xF, v33;
	v6 =	vld.idx.msk [tilespmem:v50+s15+$0x0], $0xffff  }
0x15d: {  	v57 =	vld.idx.msk [tilespmem:v52+s14+$0x0], $0xffff;
	v1 =	vadd.f32 v2, v1;
	v2 =	vmul.f32 v3, v10;
	v3 =	vmul.f32 v5, v51  }
0x15e: {  	v58 =	vor.u32 $0x10, v33;
	v7 =	vld.idx.msk [tilespmem:v52+s15+$0x0], $0xffff  }
0x15f: {  	v59 =	vld.idx.msk [tilespmem:v54+s14+$0x0], $0xffff;
	v1 =	vadd.f32 v2, v1;
	v2 =	vmul.f32 v3, v11;
	v3 =	vmul.f32 v4, v53  }
0x160: {  	v60 =	vor.u32 $0x11, v33;
	v8 =	vld.idx.msk [tilespmem:v54+s15+$0x0], $0xffff  }
0x161: {  	v61 =	vld.idx.msk [tilespmem:v56+s14+$0x0], $0xffff;
	v1 =	vadd.f32 v2, v1;
	v2 =	vmul.f32 v3, v12;
	v3 =	vmul.f32 v6, v55  }
0x162: {  	v62 =	vor.u32 $0x12, v33;
	v9 =	vld.idx.msk [tilespmem:v56+s15+$0x0], $0xffff  }
0x163: {  	v63 =	vld.idx.msk [tilespmem:v58+s14+$0x0], $0xffff;
	v1 =	vadd.f32 v2, v1;
	v2 =	vmul.f32 v3, v13;
	v3 =	vmul.f32 v7, v57  }
0x164: {  	v35 =	vor.u32 $0x13, v33;
	v5 =	vld.idx.msk [tilespmem:v58+s15+$0x0], $0xffff  }
0x165: {  	v36 =	vld.idx.msk [tilespmem:v60+s14+$0x0], $0xffff;
	v1 =	vadd.f32 v2, v1;
	v2 =	vmul.f32 v3, v14;
	v3 =	vmul.f32 v8, v59  }
0x166: {  	v37 =	vor.u32 $0x14, v33;
	v4 =	vld.idx.msk [tilespmem:v60+s15+$0x0], $0xffff  }
0x167: {  	v38 =	vld.idx.msk [tilespmem:v62+s14+$0x0], $0xffff;
	v1 =	vadd.f32 v2, v1;
	v2 =	vmul.f32 v3, v15;
	v3 =	vmul.f32 v9, v61  }
0x168: {  	v39 =	vor.u32 $0x15, v33;
	v6 =	vld.idx.msk [tilespmem:v62+s15+$0x0], $0xffff  }
0x169: {  	v40 =	vld.idx.msk [tilespmem:v35+s14+$0x0], $0xffff;
	v1 =	vadd.f32 v2, v1;
	v2 =	vmul.f32 v3, v16;
	v3 =	vmul.f32 v5, v63  }
0x16a: {  	v41 =	vor.u32 $0x16, v33;
	v7 =	vld.idx.msk [tilespmem:v35+s15+$0x0], $0xffff  }
0x16b: {  	v42 =	vld.idx.msk [tilespmem:v37+s14+$0x0], $0xffff;
	v1 =	vadd.f32 v2, v1;
	v2 =	vmul.f32 v3, v17;
	v3 =	vmul.f32 v4, v36  }
0x16c: {  	v43 =	vor.u32 $0x17, v33;
	v8 =	vld.idx.msk [tilespmem:v37+s15+$0x0], $0xffff  }
0x16d: {  	v44 =	vld.idx.msk [tilespmem:v39+s14+$0x0], $0xffff;
	v1 =	vadd.f32 v2, v1;
	v2 =	vmul.f32 v3, v18;
	v3 =	vmul.f32 v6, v38  }
0x16e: {  	v45 =	vor.u32 $0x18, v33;
	v9 =	vld.idx.msk [tilespmem:v39+s15+$0x0], $0xffff  }
0x16f: {  	v46 =	vld.idx.msk [tilespmem:v41+s14+$0x0], $0xffff;
	v1 =	vadd.f32 v2, v1;
	v2 =	vmul.f32 v3, v19;
	v3 =	vmul.f32 v7, v40  }
0x170: {  	v47 =	vor.u32 $0x19, v33;
	v5 =	vld.idx.msk [tilespmem:v41+s15+$0x0], $0xffff  }
0x171: {  	v48 =	vld.idx.msk [tilespmem:v43+s14+$0x0], $0xffff;
	v1 =	vadd.f32 v2, v1;
	v2 =	vmul.f32 v3, v20;
	v3 =	vmul.f32 v8, v42  }
0x172: {  	v49 =	vor.u32 $0x1A, v33;
	v4 =	vld.idx.msk [tilespmem:v43+s15+$0x0], $0xffff  }
0x173: {  	v50 =	vld.idx.msk [tilespmem:v45+s14+$0x0], $0xffff;
	v1 =	vadd.f32 v2, v1;
	v2 =	vmul.f32 v3, v21;
	v3 =	vmul.f32 v9, v44  }
0x174: {  	v51 =	vor.u32 $0x1B, v33;
	v6 =	vld.idx.msk [tilespmem:v45+s15+$0x0], $0xffff  }
0x175: {  	v52 =	vld.idx.msk [tilespmem:v47+s14+$0x0], $0xffff;
	v1 =	vadd.f32 v2, v1;
	v2 =	vmul.f32 v3, v22;
	v3 =	vmul.f32 v5, v46  }
0x176: {  	v53 =	vor.u32 $0x1C, v33;
	v7 =	vld.idx.msk [tilespmem:v47+s15+$0x0], $0xffff  }
0x177: {  	v54 =	vld.idx.msk [tilespmem:v49+s14+$0x0], $0xffff;
	v1 =	vadd.f32 v2, v1;
	v2 =	vmul.f32 v3, v23;
	v3 =	vmul.f32 v4, v48  }
0x178: {  	v55 =	vor.u32 $0x1D, v33;
	v8 =	vld.idx.msk [tilespmem:v49+s15+$0x0], $0xffff  }
0x179: {  	v56 =	vld.idx.msk [tilespmem:v51+s14+$0x0], $0xffff;
	v1 =	vadd.f32 v2, v1;
	v2 =	vmul.f32 v3, v24;
	v3 =	vmul.f32 v6, v50  }
0x17a: {  	v57 =	vor.u32 $0x1E, v33;
	v9 =	vld.idx.msk [tilespmem:v51+s15+$0x0], $0xffff  }
0x17b: {  	v58 =	vld.idx.msk [tilespmem:v53+s14+$0x0], $0xffff;
	v1 =	vadd.f32 v2, v1;
	v2 =	vmul.f32 v3, v25;
	v3 =	vmul.f32 v7, v52  }
0x17c: {  	v59 =	vor.u32 $0x1F, v33;
	v5 =	vld.idx.msk [tilespmem:v53+s15+$0x0], $0xffff  }
0x17d: {  	v60 =	vld.idx.msk [tilespmem:v55+s14+$0x0], $0xffff;
	v1 =	vadd.f32 v2, v1;
	v2 =	vmul.f32 v3, v26;
	v3 =	vmul.f32 v8, v54  }
0x17e: {  	v4 =	vld.idx.msk [tilespmem:v55+s15+$0x0], $0xffff  }
0x17f: {  	v61 =	vld.idx.msk [tilespmem:v57+s14+$0x0], $0xffff;
	v1 =	vadd.f32 v2, v1;
	v2 =	vmul.f32 v3, v27;
	v3 =	vmul.f32 v9, v56  }
0x180: {  	v6 =	vld.idx.msk [tilespmem:v57+s15+$0x0], $0xffff  }
0x181: {  	v62 =	vld.idx.msk [tilespmem:v59+s14+$0x0], $0xffff;
	v1 =	vadd.f32 v2, v1;
	v2 =	vmul.f32 v3, v28;
	v3 =	vmul.f32 v5, v58  }
0x182: {  	v63 =	vld.idx.msk [tilespmem:v59+s15+$0x0], $0xffff  }
0x183: {  	v1 =	vadd.f32 v2, v1;
	v2 =	vmul.f32 v3, v29;
	v3 =	vmul.f32 v4, v60;
	_ =	sdelay $0x1  }
0x184: {  	v1 =	vadd.f32 v2, v1;
	v2 =	vmul.f32 v3, v30;
	v3 =	vmul.f32 v6, v61;
	_ =	sdelay $0x1  }
0x185: {  	v1 =	vadd.f32 v2, v1;
	v2 =	vmul.f32 v3, v31;
	v3 =	vmul.f32 v63, v62;
	_ =	sdelay $0x1  }
0x186: {  	v1 =	vadd.f32 v2, v1;
	v2 =	vmul.f32 v3, v32;
	_ =	sdelay $0x1  }
0x187: {  	v1 =	vadd.f32 v2, v1;
	_ =	sdelay $0x1  }
0x188: {  	v1 =	vsub.f32 $0.0e+00, v1;
	_ =	sdelay $0x1  }
0x189: {  	v1 =	vmul.f32 $1.442695020e+00, v1;
	_ =	sdelay $0x1  }
0x18a: {  	(erf) = vpow2.f32 v1;
	_ =	sdelay $0x8  }
0x18b: {  	v1 =	vpop (erf)  }
0x18c: {  	v1 =	vadd.f32 $1.000000000e+00, v1;
	_ =	sdelay $0x1  }
0x18d: {  	(erf) = vrcp.f32 v1;
	_ =	sdelay $0x7  }
0x18e: {  	s30 =	sadd.s32 $0x1, s30  }
0x18f: {  	p0 =	sne.s32 s30, s9;
	s0 =	sadd.s32 $0x10, s0;
	v1 =	vpop (erf)  }
.Ltmp1:
0x190: {  	[tilespmem:s0+$0x0] =	vst v1;
	(pc) =	sbr.rel @p0 .LBB2_1-.Ltmp1, $4  }
0x191: {  	[hbm4b:s8+s2] =	stream.linear.scatter [tilespmem:s29], [sflag:$0x2], $0x200, $0x38;
	[tilespmem:$0x8620] =	vst v63  }
0x192: {  	_ =	swait.ge [sflag:s10], $0x200  }
0x193: {  	[sflag:s10] =	ssyncset.done $0x0  }
0x194: {  	[sflag:s10] =	ssyncadd.s32 $0xFFFFFE00  }
0x195: {  	_ =	sfence.sel $0x180000  }
0x196: {  	[bflag:$0x0] =	sbarrier.arrive $0xFFFF  }
0x197: {  	_ =	strace $0x90000047  }
0x198: {  	[bflag:$0x2] =	sbarrier.arrive $0xFFFF  }
0x199: {  	p0 =	sne.s32 s3, $0x0;
	s0 =	rddreg [dreg:$0x5]  }
0x19a: {  	s0 =	sadd.s32 @!p0 $0x100000, s0  }
0x19b: {  	[sflag:s0] =	ssyncadd.tile.s32 @!p0 $0x1;
	_ =	shalt  }
.Lfunc_end2:
_tile_overlayer_lowered:
.L_overlay_start_2:
0x19c: {  	(tag) =	ssettag $0x2  }
0x19d: {  	s0 =	rddreg [dreg:$0x0];
	s2 =	stileid.u32  }
0x19e: {  	s1 =	rddreg [dreg:$0x1];
	p0 =	sne.s32 s2, $0x0  }
0x19f: {  	s3 =	rddreg [dreg:$0x2];
	[bflag:$0x3] =	sbarrier.arrive $0xFFFF;
	s2 =	simm.s32 @!p0 $0x1C02  }
0x1a0: {  	[timem:s3], [sflag:s2] =	dma.local @!p0 [hbm:s0], s1  }
0x1a1: {  	s0 =	simm.s32 @!p0 $0x2  }
0x1a2: {  	_ =	swait.ge @!p0 [sflag:s0], s1  }
0x1a3: {  	s1 =	ssub.s32 @!p0 $0x0, s1;
	[sflag:s0] =	ssyncset.done @!p0 $0x0  }
0x1a4: {  	[sflag:s0] =	ssyncadd.s32 @!p0 s1  }
0x1a5: {  	[bflag:$0x3] =	sbarrier.arrive $0xFFFF  }
0x1a6: {  	_ =	shalt  }

</sc_bundles>
